<compile_context>
chip_gen: v7x
topology: tpu7x:2x2x1
jax: 0.10.2.dev20260603
libtpu: 0.0.44.dev20260713+nightly
codegen_flags: <defaults>
</compile_context>

<pallas_src>
import functools

import jax
import jax.numpy as jnp
from jax import lax
from jax.experimental import pallas as pl
from jax.experimental.pallas import tpu as pltpu
from jax.experimental.pallas import tpu_sc as plsc

def _lanes(a, perm):
    dn = lax.GatherDimensionNumbers(
        offset_dims=(), collapsed_slice_dims=(0,), start_index_map=(0,))
    return lax.gather(a, perm[:, None], dn, (1,),
                      mode=lax.GatherScatterMode.PROMISE_IN_BOUNDS)


B = 16384
D = 128
L = 16
NC = 2
NS = 16
NW = NC * NS
RW = B // NW
C = 128
NCHUNK = RW // C
NR = 1000


def _body(h_hbm, idx_hbm, t_hbm, rel_hbm, out_hbm, *scratch):
    wid = lax.axis_index("s") * NC + lax.axis_index("c")
    base_w = wid * RW
    iota = lax.iota(jnp.int32, L)
    bufs = [scratch[0:9], scratch[9:18]]
    rel_sh = scratch[18]

    @pl.when(lax.axis_index("s") == 0)
    def _stage():
        pltpu.sync_copy(rel_hbm, rel_sh)
    plsc.subcore_barrier()

    def start_in(ci, bb):
        idx_v, h_v, t_v, r_v = bb[0], bb[1], bb[2], bb[3]
        gsem, hsem, tsem = bb[5], bb[6], bb[7]
        base = base_w + ci * C
        pltpu.sync_copy(idx_hbm.at[pl.ds(base, C)], idx_v)
        g = pltpu.async_copy(rel_sh.at[idx_v], r_v, gsem)
        h = pltpu.async_copy(h_hbm.at[pl.ds(base, C)], h_v, hsem)
        t = pltpu.async_copy(t_hbm.at[pl.ds(base, C)], t_v, tsem)
        return (g, h, t)

    pend_in = {0: start_in(0, bufs[0])}
    pend_out = {}
    for ci in range(NCHUNK):
        bb = bufs[ci & 1]
        h_v, t_v, r_v, out_v, osem = bb[1], bb[2], bb[3], bb[4], bb[8]
        if ci + 1 < NCHUNK:
            pend_in[ci + 1] = start_in(ci + 1, bufs[(ci + 1) & 1])
        for cpy in pend_in.pop(ci):
            cpy.wait()
        if ci - 2 in pend_out:
            pend_out.pop(ci - 2).wait()

        @plsc.parallel_loop(0, C, unroll=2)
        def _row(rr):
            acc = (h_v[rr, pl.ds(0, L)] * r_v[rr, pl.ds(0, L)]
                   * t_v[rr, pl.ds(0, L)])
            for k in range(1, D // L):
                acc = acc + (h_v[rr, pl.ds(k * L, L)]
                             * r_v[rr, pl.ds(k * L, L)]
                             * t_v[rr, pl.ds(k * L, L)])
            for fold in (1, 2, 4, 8):
                acc = acc + _lanes(acc, iota ^ fold)
            plsc.store_compressed(out_v.at[pl.ds(rr, L)], acc,
                                  mask=iota == 0)

        base = base_w + ci * C
        pend_out[ci] = pltpu.async_copy(
            out_v.at[pl.ds(0, C)], out_hbm.at[pl.ds(base, C)], osem)
    for cpy in pend_out.values():
        cpy.wait()


@functools.partial(
    pl.kernel,
    out_type=jax.ShapeDtypeStruct((B,), jnp.float32),
    mesh=plsc.VectorSubcoreMesh(
        core_axis_name="c", subcore_axis_name="s",
        num_cores=NC, num_subcores=NS),
    compiler_params=pltpu.CompilerParams(needs_layout_passes=False),
    scratch_types=[
        pltpu.VMEM((C,), jnp.int32),
        pltpu.VMEM((C, D), jnp.float32),
        pltpu.VMEM((C, D), jnp.float32),
        pltpu.VMEM((C, D), jnp.float32),
        pltpu.VMEM((C + L,), jnp.float32),
        pltpu.SemaphoreType.DMA,
        pltpu.SemaphoreType.DMA,
        pltpu.SemaphoreType.DMA,
        pltpu.SemaphoreType.DMA,
    ] * 2 + [pltpu.VMEM_SHARED((NR, D), jnp.float32)],
)
def _distmult_sc(h_hbm, idx_hbm, t_hbm, rel_hbm, out_hbm, *scratch):
    _body(h_hbm, idx_hbm, t_hbm, rel_hbm, out_hbm, *scratch)


def kernel(h_emb, r_idx, t_emb, rel_emb):
    return _distmult_sc(h_emb, r_idx.astype(jnp.int32), t_emb, rel_emb)

# --- scband reference (transcript-rebuilt; emitter-appended) ---
"""Pipeline reference for scband-dist-mult-decoder-67456756351572 (READ-ONLY COPY).

The authoritative reference and input builder live on the scoring server;
editing this copy changes nothing except your own understanding.
"""

import jax, jax.numpy as jnp
import numpy as np

N_RELS = 1000
DIM = 128
BATCH = 16384


def setup_inputs(seed: int = 0) -> dict:
    key = jax.random.key(seed)
    k1, k2, k3, k4 = jax.random.split(key, 4)
    h_emb = jax.random.normal(k1, (BATCH, DIM), dtype=jnp.float32)
    t_emb = jax.random.normal(k2, (BATCH, DIM), dtype=jnp.float32)
    r_idx = jax.random.randint(k3, (BATCH,), 0, N_RELS, dtype=jnp.int64 if jax.config.jax_enable_x64 else jnp.int32)
    # xavier_uniform for embedding weight [N_RELS, DIM]: bound = sqrt(6/(fan_in+fan_out))
    bound = float(np.sqrt(6.0 / (N_RELS + DIM)))
    rel_emb = jax.random.uniform(k4, (N_RELS, DIM), dtype=jnp.float32, minval=-bound, maxval=bound)
    return {"h_emb": h_emb, "r_idx": r_idx, "t_emb": t_emb, "rel_emb": rel_emb}


def reference(h_emb, r_idx, t_emb, rel_emb):
    # r = self.rel_emb(r_idx)  -> embedding lookup (gather)
    r = jnp.take(rel_emb, r_idx, axis=0)
    # (h_emb * r * t_emb).sum(dim=-1)
    return jnp.sum(h_emb * r * t_emb, axis=-1)

if __name__ == "__main__":
    import jax
    _d = setup_inputs()
    print(jax.jit(kernel)(*tuple(_d.values())))

</pallas_src>

<mosaic_0001>
#map = affine_map<(d0, d1) -> (0, 0)>
#map1 = affine_map<(d0, d1) -> (0)>
module attributes {stable_mosaic.version = 14 : i64} {
  func.func @_distmult_sc(%arg0: i32, %arg1: i32, %arg2: memref<16384x128xf32, #tpu.memory_space<hbm>>, %arg3: memref<16384xi32, #tpu.memory_space<hbm>>, %arg4: memref<16384x128xf32, #tpu.memory_space<hbm>>, %arg5: memref<1000x128xf32, #tpu.memory_space<hbm>>, %arg6: memref<16384xf32, #tpu.memory_space<hbm>>, %arg7: memref<128xi32, #tpu.memory_space<vmem>>, %arg8: memref<128x128xf32, #tpu.memory_space<vmem>>, %arg9: memref<128x128xf32, #tpu.memory_space<vmem>>, %arg10: memref<128x128xf32, #tpu.memory_space<vmem>>, %arg11: memref<144xf32, #tpu.memory_space<vmem>>, %arg12: memref<!tpu.dma_semaphore, #tpu.memory_space<semaphore_mem>>, %arg13: memref<!tpu.dma_semaphore, #tpu.memory_space<semaphore_mem>>, %arg14: memref<!tpu.dma_semaphore, #tpu.memory_space<semaphore_mem>>, %arg15: memref<!tpu.dma_semaphore, #tpu.memory_space<semaphore_mem>>, %arg16: memref<128xi32, #tpu.memory_space<vmem>>, %arg17: memref<128x128xf32, #tpu.memory_space<vmem>>, %arg18: memref<128x128xf32, #tpu.memory_space<vmem>>, %arg19: memref<128x128xf32, #tpu.memory_space<vmem>>, %arg20: memref<144xf32, #tpu.memory_space<vmem>>, %arg21: memref<!tpu.dma_semaphore, #tpu.memory_space<semaphore_mem>>, %arg22: memref<!tpu.dma_semaphore, #tpu.memory_space<semaphore_mem>>, %arg23: memref<!tpu.dma_semaphore, #tpu.memory_space<semaphore_mem>>, %arg24: memref<!tpu.dma_semaphore, #tpu.memory_space<semaphore_mem>>, %arg25: memref<1000x128xf32, #tpu.memory_space<vmem_shared>>) attributes {dimension_semantics = [#tpu.dimension_semantics<core_parallel>, #tpu.dimension_semantics<subcore_parallel>], iteration_bounds = array<i64: 2, 16>, scalar_prefetch = 0 : i64, scratch_operands = 19 : i64, tpu.core_type = #tpu.core_type<sc_vector_subcore>, window_params = [{transform_indices = #map}, {transform_indices = #map1}, {transform_indices = #map}, {transform_indices = #map}, {transform_indices = #map1}]} {
    %mul3A = arith.constant 2 : i32
    %mul3A_0 = arith.muli %arg1, %mul3A : i32
    %add3A = arith.addi %mul3A_0, %arg0 : i32
    %mul3A_1 = arith.constant 512 : i32
    %mul3A_2 = arith.muli %add3A, %mul3A_1 : i32
    %iota3A = tpu.iota {dimensions = array<i32: 0>} : vector<16xi32>
    %eq3A = arith.constant 0 : i32
    %eq3A_3 = arith.cmpi eq, %arg1, %eq3A : i32
    %convert_element_type3A = arith.extui %eq3A_3 : i1 to i32
    %cond3A = arith.constant 0 : i32
    %cond3A_4 = arith.cmpi ne, %convert_element_type3A, %cond3A : i32
    scf.if %cond3A_4 {
      "tpu.region"() ({
        %run_scoped3A = tpu.sem_alloc : memref<!tpu.dma_semaphore, #tpu.memory_space<semaphore_mem>>
        tpu.enqueue_dma source(%arg5 : memref<1000x128xf32, #tpu.memory_space<hbm>>) target(%arg25 : memref<1000x128xf32, #tpu.memory_space<vmem_shared>>) target_semaphore(%run_scoped3A : memref<!tpu.dma_semaphore, #tpu.memory_space<semaphore_mem>>)
        tpu.wait_dma2 semaphore(%run_scoped3A : memref<!tpu.dma_semaphore, #tpu.memory_space<semaphore_mem>>) src(%arg5 : memref<1000x128xf32, #tpu.memory_space<hbm>>) dst(%arg25 : memref<1000x128xf32, #tpu.memory_space<vmem_shared>>)
        tpu.yield
      }) : () -> ()
    } else {
    }
    %barrier3A = arith.constant 0 : index
    tpu.barrier barrier_id(%barrier3A)
    %add3A_5 = arith.constant 0 : i32
    %add3A_6 = arith.addi %mul3A_2, %add3A_5 : i32
    "tpu.region"() ({
      %run_scoped3A = tpu.sem_alloc : memref<!tpu.dma_semaphore, #tpu.memory_space<semaphore_mem>>
      %dma_start3A_166 = tpu.memref_slice %arg3[%add3A_6] : memref<16384xi32, #tpu.memory_space<hbm>> -> memref<128xi32, #tpu.memory_space<hbm>>
      %dma_start3A_167 = tpu.memref_slice %arg3[%add3A_6] : memref<16384xi32, #tpu.memory_space<hbm>> -> memref<128xi32, #tpu.memory_space<hbm>>
      tpu.enqueue_dma source(%dma_start3A_167 : memref<128xi32, #tpu.memory_space<hbm>>) target(%arg7 : memref<128xi32, #tpu.memory_space<vmem>>) target_semaphore(%run_scoped3A : memref<!tpu.dma_semaphore, #tpu.memory_space<semaphore_mem>>)
      %dma_wait3A_168 = tpu.memref_slice %arg3[%add3A_6] : memref<16384xi32, #tpu.memory_space<hbm>> -> memref<128xi32, #tpu.memory_space<hbm>>
      %dma_wait3A_169 = tpu.memref_slice %arg3[%add3A_6] : memref<16384xi32, #tpu.memory_space<hbm>> -> memref<128xi32, #tpu.memory_space<hbm>>
      tpu.wait_dma2 semaphore(%run_scoped3A : memref<!tpu.dma_semaphore, #tpu.memory_space<semaphore_mem>>) src(%dma_wait3A_169 : memref<128xi32, #tpu.memory_space<hbm>>) dst(%arg7 : memref<128xi32, #tpu.memory_space<vmem>>)
      tpu.yield
    }) : () -> ()
    %dma_start3A = arith.constant 0 : i32
    %dma_start3A_7 = arith.constant 0 : i32
    %dma_start3A_8 = tpu.memref_slice %arg25[%dma_start3A, %dma_start3A_7] : memref<1000x128xf32, #tpu.memory_space<vmem_shared>> -> memref<1000x128xf32, #tpu.memory_space<vmem_shared>>
    tpu.enqueue_indirect_dma source(%dma_start3A_8 : memref<1000x128xf32, #tpu.memory_space<vmem_shared>>) target(%arg10 : memref<128x128xf32, #tpu.memory_space<vmem>>) offsets(%arg7 : memref<128xi32, #tpu.memory_space<vmem>>) semaphore(%arg12 : memref<!tpu.dma_semaphore, #tpu.memory_space<semaphore_mem>>)
    %dma_start3A_9 = arith.constant 0 : i32
    %dma_start3A_10 = tpu.memref_slice %arg2[%add3A_6, %dma_start3A_9] : memref<16384x128xf32, #tpu.memory_space<hbm>> -> memref<128x128xf32, #tpu.memory_space<hbm>>
    %dma_start3A_11 = arith.constant 0 : i32
    %dma_start3A_12 = tpu.memref_slice %arg2[%add3A_6, %dma_start3A_11] : memref<16384x128xf32, #tpu.memory_space<hbm>> -> memref<128x128xf32, #tpu.memory_space<hbm>>
    tpu.enqueue_dma source(%dma_start3A_12 : memref<128x128xf32, #tpu.memory_space<hbm>>) target(%arg8 : memref<128x128xf32, #tpu.memory_space<vmem>>) target_semaphore(%arg13 : memref<!tpu.dma_semaphore, #tpu.memory_space<semaphore_mem>>)
    %dma_start3A_13 = arith.constant 0 : i32
    %dma_start3A_14 = tpu.memref_slice %arg4[%add3A_6, %dma_start3A_13] : memref<16384x128xf32, #tpu.memory_space<hbm>> -> memref<128x128xf32, #tpu.memory_space<hbm>>
    %dma_start3A_15 = arith.constant 0 : i32
    %dma_start3A_16 = tpu.memref_slice %arg4[%add3A_6, %dma_start3A_15] : memref<16384x128xf32, #tpu.memory_space<hbm>> -> memref<128x128xf32, #tpu.memory_space<hbm>>
    tpu.enqueue_dma source(%dma_start3A_16 : memref<128x128xf32, #tpu.memory_space<hbm>>) target(%arg9 : memref<128x128xf32, #tpu.memory_space<vmem>>) target_semaphore(%arg14 : memref<!tpu.dma_semaphore, #tpu.memory_space<semaphore_mem>>)
    %add3A_17 = arith.constant 128 : i32
    %add3A_18 = arith.addi %mul3A_2, %add3A_17 : i32
    "tpu.region"() ({
      %run_scoped3A = tpu.sem_alloc : memref<!tpu.dma_semaphore, #tpu.memory_space<semaphore_mem>>
      %dma_start3A_166 = tpu.memref_slice %arg3[%add3A_18] : memref<16384xi32, #tpu.memory_space<hbm>> -> memref<128xi32, #tpu.memory_space<hbm>>
      %dma_start3A_167 = tpu.memref_slice %arg3[%add3A_18] : memref<16384xi32, #tpu.memory_space<hbm>> -> memref<128xi32, #tpu.memory_space<hbm>>
      tpu.enqueue_dma source(%dma_start3A_167 : memref<128xi32, #tpu.memory_space<hbm>>) target(%arg16 : memref<128xi32, #tpu.memory_space<vmem>>) target_semaphore(%run_scoped3A : memref<!tpu.dma_semaphore, #tpu.memory_space<semaphore_mem>>)
      %dma_wait3A_168 = tpu.memref_slice %arg3[%add3A_18] : memref<16384xi32, #tpu.memory_space<hbm>> -> memref<128xi32, #tpu.memory_space<hbm>>
      %dma_wait3A_169 = tpu.memref_slice %arg3[%add3A_18] : memref<16384xi32, #tpu.memory_space<hbm>> -> memref<128xi32, #tpu.memory_space<hbm>>
      tpu.wait_dma2 semaphore(%run_scoped3A : memref<!tpu.dma_semaphore, #tpu.memory_space<semaphore_mem>>) src(%dma_wait3A_169 : memref<128xi32, #tpu.memory_space<hbm>>) dst(%arg16 : memref<128xi32, #tpu.memory_space<vmem>>)
      tpu.yield
    }) : () -> ()
    %dma_start3A_19 = arith.constant 0 : i32
    %dma_start3A_20 = arith.constant 0 : i32
    %dma_start3A_21 = tpu.memref_slice %arg25[%dma_start3A_19, %dma_start3A_20] : memref<1000x128xf32, #tpu.memory_space<vmem_shared>> -> memref<1000x128xf32, #tpu.memory_space<vmem_shared>>
    tpu.enqueue_indirect_dma source(%dma_start3A_21 : memref<1000x128xf32, #tpu.memory_space<vmem_shared>>) target(%arg19 : memref<128x128xf32, #tpu.memory_space<vmem>>) offsets(%arg16 : memref<128xi32, #tpu.memory_space<vmem>>) semaphore(%arg21 : memref<!tpu.dma_semaphore, #tpu.memory_space<semaphore_mem>>)
    %dma_start3A_22 = arith.constant 0 : i32
    %dma_start3A_23 = tpu.memref_slice %arg2[%add3A_18, %dma_start3A_22] : memref<16384x128xf32, #tpu.memory_space<hbm>> -> memref<128x128xf32, #tpu.memory_space<hbm>>
    %dma_start3A_24 = arith.constant 0 : i32
    %dma_start3A_25 = tpu.memref_slice %arg2[%add3A_18, %dma_start3A_24] : memref<16384x128xf32, #tpu.memory_space<hbm>> -> memref<128x128xf32, #tpu.memory_space<hbm>>
    tpu.enqueue_dma source(%dma_start3A_25 : memref<128x128xf32, #tpu.memory_space<hbm>>) target(%arg17 : memref<128x128xf32, #tpu.memory_space<vmem>>) target_semaphore(%arg22 : memref<!tpu.dma_semaphore, #tpu.memory_space<semaphore_mem>>)
    %dma_start3A_26 = arith.constant 0 : i32
    %dma_start3A_27 = tpu.memref_slice %arg4[%add3A_18, %dma_start3A_26] : memref<16384x128xf32, #tpu.memory_space<hbm>> -> memref<128x128xf32, #tpu.memory_space<hbm>>
    %dma_start3A_28 = arith.constant 0 : i32
    %dma_start3A_29 = tpu.memref_slice %arg4[%add3A_18, %dma_start3A_28] : memref<16384x128xf32, #tpu.memory_space<hbm>> -> memref<128x128xf32, #tpu.memory_space<hbm>>
    tpu.enqueue_dma source(%dma_start3A_29 : memref<128x128xf32, #tpu.memory_space<hbm>>) target(%arg18 : memref<128x128xf32, #tpu.memory_space<vmem>>) target_semaphore(%arg23 : memref<!tpu.dma_semaphore, #tpu.memory_space<semaphore_mem>>)
    %dma_wait3A = arith.constant 0 : i32
    %dma_wait3A_30 = arith.constant 0 : i32
    %dma_wait3A_31 = tpu.memref_slice %arg25[%dma_wait3A, %dma_wait3A_30] : memref<1000x128xf32, #tpu.memory_space<vmem_shared>> -> memref<1000x128xf32, #tpu.memory_space<vmem_shared>>
    tpu.wait_indirect_dma semaphore(%arg12 : memref<!tpu.dma_semaphore, #tpu.memory_space<semaphore_mem>>) src(%dma_wait3A_31 : memref<1000x128xf32, #tpu.memory_space<vmem_shared>>) dst(%arg10 : memref<128x128xf32, #tpu.memory_space<vmem>>)
    %dma_wait3A_32 = arith.constant 0 : i32
    %dma_wait3A_33 = tpu.memref_slice %arg2[%add3A_6, %dma_wait3A_32] : memref<16384x128xf32, #tpu.memory_space<hbm>> -> memref<128x128xf32, #tpu.memory_space<hbm>>
    %dma_wait3A_34 = arith.constant 0 : i32
    %dma_wait3A_35 = tpu.memref_slice %arg2[%add3A_6, %dma_wait3A_34] : memref<16384x128xf32, #tpu.memory_space<hbm>> -> memref<128x128xf32, #tpu.memory_space<hbm>>
    tpu.wait_dma2 semaphore(%arg13 : memref<!tpu.dma_semaphore, #tpu.memory_space<semaphore_mem>>) src(%dma_wait3A_35 : memref<128x128xf32, #tpu.memory_space<hbm>>) dst(%arg8 : memref<128x128xf32, #tpu.memory_space<vmem>>)
    %dma_wait3A_36 = arith.constant 0 : i32
    %dma_wait3A_37 = tpu.memref_slice %arg4[%add3A_6, %dma_wait3A_36] : memref<16384x128xf32, #tpu.memory_space<hbm>> -> memref<128x128xf32, #tpu.memory_space<hbm>>
    %dma_wait3A_38 = arith.constant 0 : i32
    %dma_wait3A_39 = tpu.memref_slice %arg4[%add3A_6, %dma_wait3A_38] : memref<16384x128xf32, #tpu.memory_space<hbm>> -> memref<128x128xf32, #tpu.memory_space<hbm>>
    tpu.wait_dma2 semaphore(%arg14 : memref<!tpu.dma_semaphore, #tpu.memory_space<semaphore_mem>>) src(%dma_wait3A_39 : memref<128x128xf32, #tpu.memory_space<hbm>>) dst(%arg9 : memref<128x128xf32, #tpu.memory_space<vmem>>)
    %parallel_loop3A = arith.constant 0 : i32
    %parallel_loop3A_40 = arith.constant 128 : i32
    %parallel_loop3A_41 = arith.constant 1 : i32
    scf.for %parallel_loop3A_166 = %parallel_loop3A to %parallel_loop3A_40 step %parallel_loop3A_41  : i32 {
      %parallel_loop3A_167 = arith.index_cast %parallel_loop3A_166 : i32 to index
      %parallel_loop3A_168 = arith.constant 0 : index
      %parallel_loop3A_169 = tpu.vector_load %arg8[%parallel_loop3A_167, %parallel_loop3A_168] {strides = array<i32>} : memref<128x128xf32, #tpu.memory_space<vmem>>, vector<16xf32>,
      %parallel_loop3A_170 = arith.index_cast %parallel_loop3A_166 : i32 to index
      %parallel_loop3A_171 = arith.constant 0 : index
      %parallel_loop3A_172 = tpu.vector_load %arg10[%parallel_loop3A_170, %parallel_loop3A_171] {strides = array<i32>} : memref<128x128xf32, #tpu.memory_space<vmem>>, vector<16xf32>,
      %parallel_loop3A_173 = arith.mulf %parallel_loop3A_169, %parallel_loop3A_172 : vector<16xf32>
      %parallel_loop3A_174 = arith.index_cast %parallel_loop3A_166 : i32 to index
      %parallel_loop3A_175 = arith.constant 0 : index
      %parallel_loop3A_176 = tpu.vector_load %arg9[%parallel_loop3A_174, %parallel_loop3A_175] {strides = array<i32>} : memref<128x128xf32, #tpu.memory_space<vmem>>, vector<16xf32>,
      %parallel_loop3A_177 = arith.mulf %parallel_loop3A_173, %parallel_loop3A_176 : vector<16xf32>
      %parallel_loop3A_178 = arith.index_cast %parallel_loop3A_166 : i32 to index
      %parallel_loop3A_179 = arith.constant 16 : index
      %parallel_loop3A_180 = tpu.vector_load %arg8[%parallel_loop3A_178, %parallel_loop3A_179] {strides = array<i32>} : memref<128x128xf32, #tpu.memory_space<vmem>>, vector<16xf32>,
      %parallel_loop3A_181 = arith.index_cast %parallel_loop3A_166 : i32 to index
      %parallel_loop3A_182 = arith.constant 16 : index
      %parallel_loop3A_183 = tpu.vector_load %arg10[%parallel_loop3A_181, %parallel_loop3A_182] {strides = array<i32>} : memref<128x128xf32, #tpu.memory_space<vmem>>, vector<16xf32>,
      %parallel_loop3A_184 = arith.mulf %parallel_loop3A_180, %parallel_loop3A_183 : vector<16xf32>
      %parallel_loop3A_185 = arith.index_cast %parallel_loop3A_166 : i32 to index
      %parallel_loop3A_186 = arith.constant 16 : index
      %parallel_loop3A_187 = tpu.vector_load %arg9[%parallel_loop3A_185, %parallel_loop3A_186] {strides = array<i32>} : memref<128x128xf32, #tpu.memory_space<vmem>>, vector<16xf32>,
      %parallel_loop3A_188 = arith.mulf %parallel_loop3A_184, %parallel_loop3A_187 : vector<16xf32>
      %parallel_loop3A_189 = arith.addf %parallel_loop3A_177, %parallel_loop3A_188 : vector<16xf32>
      %parallel_loop3A_190 = arith.index_cast %parallel_loop3A_166 : i32 to index
      %parallel_loop3A_191 = arith.constant 32 : index
      %parallel_loop3A_192 = tpu.vector_load %arg8[%parallel_loop3A_190, %parallel_loop3A_191] {strides = array<i32>} : memref<128x128xf32, #tpu.memory_space<vmem>>, vector<16xf32>,
      %parallel_loop3A_193 = arith.index_cast %parallel_loop3A_166 : i32 to index
      %parallel_loop3A_194 = arith.constant 32 : index
      %parallel_loop3A_195 = tpu.vector_load %arg10[%parallel_loop3A_193, %parallel_loop3A_194] {strides = array<i32>} : memref<128x128xf32, #tpu.memory_space<vmem>>, vector<16xf32>,
      %parallel_loop3A_196 = arith.mulf %parallel_loop3A_192, %parallel_loop3A_195 : vector<16xf32>
      %parallel_loop3A_197 = arith.index_cast %parallel_loop3A_166 : i32 to index
      %parallel_loop3A_198 = arith.constant 32 : index
      %parallel_loop3A_199 = tpu.vector_load %arg9[%parallel_loop3A_197, %parallel_loop3A_198] {strides = array<i32>} : memref<128x128xf32, #tpu.memory_space<vmem>>, vector<16xf32>,
      %parallel_loop3A_200 = arith.mulf %parallel_loop3A_196, %parallel_loop3A_199 : vector<16xf32>
      %parallel_loop3A_201 = arith.addf %parallel_loop3A_189, %parallel_loop3A_200 : vector<16xf32>
      %parallel_loop3A_202 = arith.index_cast %parallel_loop3A_166 : i32 to index
      %parallel_loop3A_203 = arith.constant 48 : index
      %parallel_loop3A_204 = tpu.vector_load %arg8[%parallel_loop3A_202, %parallel_loop3A_203] {strides = array<i32>} : memref<128x128xf32, #tpu.memory_space<vmem>>, vector<16xf32>,
      %parallel_loop3A_205 = arith.index_cast %parallel_loop3A_166 : i32 to index
      %parallel_loop3A_206 = arith.constant 48 : index
      %parallel_loop3A_207 = tpu.vector_load %arg10[%parallel_loop3A_205, %parallel_loop3A_206] {strides = array<i32>} : memref<128x128xf32, #tpu.memory_space<vmem>>, vector<16xf32>,
      %parallel_loop3A_208 = arith.mulf %parallel_loop3A_204, %parallel_loop3A_207 : vector<16xf32>
      %parallel_loop3A_209 = arith.index_cast %parallel_loop3A_166 : i32 to index
      %parallel_loop3A_210 = arith.constant 48 : index
      %parallel_loop3A_211 = tpu.vector_load %arg9[%parallel_loop3A_209, %parallel_loop3A_210] {strides = array<i32>} : memref<128x128xf32, #tpu.memory_space<vmem>>, vector<16xf32>,
      %parallel_loop3A_212 = arith.mulf %parallel_loop3A_208, %parallel_loop3A_211 : vector<16xf32>
      %parallel_loop3A_213 = arith.addf %parallel_loop3A_201, %parallel_loop3A_212 : vector<16xf32>
      %parallel_loop3A_214 = arith.index_cast %parallel_loop3A_166 : i32 to index
      %parallel_loop3A_215 = arith.constant 64 : index
      %parallel_loop3A_216 = tpu.vector_load %arg8[%parallel_loop3A_214, %parallel_loop3A_215] {strides = array<i32>} : memref<128x128xf32, #tpu.memory_space<vmem>>, vector<16xf32>,
      %parallel_loop3A_217 = arith.index_cast %parallel_loop3A_166 : i32 to index
      %parallel_loop3A_218 = arith.constant 64 : index
      %parallel_loop3A_219 = tpu.vector_load %arg10[%parallel_loop3A_217, %parallel_loop3A_218] {strides = array<i32>} : memref<128x128xf32, #tpu.memory_space<vmem>>, vector<16xf32>,
      %parallel_loop3A_220 = arith.mulf %parallel_loop3A_216, %parallel_loop3A_219 : vector<16xf32>
      %parallel_loop3A_221 = arith.index_cast %parallel_loop3A_166 : i32 to index
      %parallel_loop3A_222 = arith.constant 64 : index
      %parallel_loop3A_223 = tpu.vector_load %arg9[%parallel_loop3A_221, %parallel_loop3A_222] {strides = array<i32>} : memref<128x128xf32, #tpu.memory_space<vmem>>, vector<16xf32>,
      %parallel_loop3A_224 = arith.mulf %parallel_loop3A_220, %parallel_loop3A_223 : vector<16xf32>
      %parallel_loop3A_225 = arith.addf %parallel_loop3A_213, %parallel_loop3A_224 : vector<16xf32>
      %parallel_loop3A_226 = arith.index_cast %parallel_loop3A_166 : i32 to index
      %parallel_loop3A_227 = arith.constant 80 : index
      %parallel_loop3A_228 = tpu.vector_load %arg8[%parallel_loop3A_226, %parallel_loop3A_227] {strides = array<i32>} : memref<128x128xf32, #tpu.memory_space<vmem>>, vector<16xf32>,
      %parallel_loop3A_229 = arith.index_cast %parallel_loop3A_166 : i32 to index
      %parallel_loop3A_230 = arith.constant 80 : index
      %parallel_loop3A_231 = tpu.vector_load %arg10[%parallel_loop3A_229, %parallel_loop3A_230] {strides = array<i32>} : memref<128x128xf32, #tpu.memory_space<vmem>>, vector<16xf32>,
      %parallel_loop3A_232 = arith.mulf %parallel_loop3A_228, %parallel_loop3A_231 : vector<16xf32>
      %parallel_loop3A_233 = arith.index_cast %parallel_loop3A_166 : i32 to index
      %parallel_loop3A_234 = arith.constant 80 : index
      %parallel_loop3A_235 = tpu.vector_load %arg9[%parallel_loop3A_233, %parallel_loop3A_234] {strides = array<i32>} : memref<128x128xf32, #tpu.memory_space<vmem>>, vector<16xf32>,
      %parallel_loop3A_236 = arith.mulf %parallel_loop3A_232, %parallel_loop3A_235 : vector<16xf32>
      %parallel_loop3A_237 = arith.addf %parallel_loop3A_225, %parallel_loop3A_236 : vector<16xf32>
      %parallel_loop3A_238 = arith.index_cast %parallel_loop3A_166 : i32 to index
      %parallel_loop3A_239 = arith.constant 96 : index
      %parallel_loop3A_240 = tpu.vector_load %arg8[%parallel_loop3A_238, %parallel_loop3A_239] {strides = array<i32>} : memref<128x128xf32, #tpu.memory_space<vmem>>, vector<16xf32>,
      %parallel_loop3A_241 = arith.index_cast %parallel_loop3A_166 : i32 to index
      %parallel_loop3A_242 = arith.constant 96 : index
      %parallel_loop3A_243 = tpu.vector_load %arg10[%parallel_loop3A_241, %parallel_loop3A_242] {strides = array<i32>} : memref<128x128xf32, #tpu.memory_space<vmem>>, vector<16xf32>,
      %parallel_loop3A_244 = arith.mulf %parallel_loop3A_240, %parallel_loop3A_243 : vector<16xf32>
      %parallel_loop3A_245 = arith.index_cast %parallel_loop3A_166 : i32 to index
      %parallel_loop3A_246 = arith.constant 96 : index
      %parallel_loop3A_247 = tpu.vector_load %arg9[%parallel_loop3A_245, %parallel_loop3A_246] {strides = array<i32>} : memref<128x128xf32, #tpu.memory_space<vmem>>, vector<16xf32>,
      %parallel_loop3A_248 = arith.mulf %parallel_loop3A_244, %parallel_loop3A_247 : vector<16xf32>
      %parallel_loop3A_249 = arith.addf %parallel_loop3A_237, %parallel_loop3A_248 : vector<16xf32>
      %parallel_loop3A_250 = arith.index_cast %parallel_loop3A_166 : i32 to index
      %parallel_loop3A_251 = arith.constant 112 : index
      %parallel_loop3A_252 = tpu.vector_load %arg8[%parallel_loop3A_250, %parallel_loop3A_251] {strides = array<i32>} : memref<128x128xf32, #tpu.memory_space<vmem>>, vector<16xf32>,
      %parallel_loop3A_253 = arith.index_cast %parallel_loop3A_166 : i32 to index
      %parallel_loop3A_254 = arith.constant 112 : index
      %parallel_loop3A_255 = tpu.vector_load %arg10[%parallel_loop3A_253, %parallel_loop3A_254] {strides = array<i32>} : memref<128x128xf32, #tpu.memory_space<vmem>>, vector<16xf32>,
      %parallel_loop3A_256 = arith.mulf %parallel_loop3A_252, %parallel_loop3A_255 : vector<16xf32>
      %parallel_loop3A_257 = arith.index_cast %parallel_loop3A_166 : i32 to index
      %parallel_loop3A_258 = arith.constant 112 : index
      %parallel_loop3A_259 = tpu.vector_load %arg9[%parallel_loop3A_257, %parallel_loop3A_258] {strides = array<i32>} : memref<128x128xf32, #tpu.memory_space<vmem>>, vector<16xf32>,
      %parallel_loop3A_260 = arith.mulf %parallel_loop3A_256, %parallel_loop3A_259 : vector<16xf32>
      %parallel_loop3A_261 = arith.addf %parallel_loop3A_249, %parallel_loop3A_260 : vector<16xf32>
      %parallel_loop3A_262 = arith.constant 1 : i32
      %parallel_loop3A_263 = vector.broadcast %parallel_loop3A_262 : i32 to vector<16xi32>
      %parallel_loop3A_264 = arith.xori %iota3A, %parallel_loop3A_263 : vector<16xi32>
      %parallel_loop3A_265 = vector.shape_cast %parallel_loop3A_264 : vector<16xi32> to vector<16x1xi32>
      %parallel_loop3A_266 = vector.shape_cast %parallel_loop3A_265 : vector<16x1xi32> to vector<16xi32>
      %parallel_loop3A_267 = tpu.dynamic_gather %parallel_loop3A_261[%parallel_loop3A_266] in [0] : vector<16xf32>, vector<16xi32> -> vector<16xf32>
      %parallel_loop3A_268 = arith.addf %parallel_loop3A_261, %parallel_loop3A_267 : vector<16xf32>
      %parallel_loop3A_269 = arith.constant 2 : i32
      %parallel_loop3A_270 = vector.broadcast %parallel_loop3A_269 : i32 to vector<16xi32>
      %parallel_loop3A_271 = arith.xori %iota3A, %parallel_loop3A_270 : vector<16xi32>
      %parallel_loop3A_272 = vector.shape_cast %parallel_loop3A_271 : vector<16xi32> to vector<16x1xi32>
      %parallel_loop3A_273 = vector.shape_cast %parallel_loop3A_272 : vector<16x1xi32> to vector<16xi32>
      %parallel_loop3A_274 = tpu.dynamic_gather %parallel_loop3A_268[%parallel_loop3A_273] in [0] : vector<16xf32>, vector<16xi32> -> vector<16xf32>
      %parallel_loop3A_275 = arith.addf %parallel_loop3A_268, %parallel_loop3A_274 : vector<16xf32>
      %parallel_loop3A_276 = arith.constant 4 : i32
      %parallel_loop3A_277 = vector.broadcast %parallel_loop3A_276 : i32 to vector<16xi32>
      %parallel_loop3A_278 = arith.xori %iota3A, %parallel_loop3A_277 : vector<16xi32>
      %parallel_loop3A_279 = vector.shape_cast %parallel_loop3A_278 : vector<16xi32> to vector<16x1xi32>
      %parallel_loop3A_280 = vector.shape_cast %parallel_loop3A_279 : vector<16x1xi32> to vector<16xi32>
      %parallel_loop3A_281 = tpu.dynamic_gather %parallel_loop3A_275[%parallel_loop3A_280] in [0] : vector<16xf32>, vector<16xi32> -> vector<16xf32>
      %parallel_loop3A_282 = arith.addf %parallel_loop3A_275, %parallel_loop3A_281 : vector<16xf32>
      %parallel_loop3A_283 = arith.constant 8 : i32
      %parallel_loop3A_284 = vector.broadcast %parallel_loop3A_283 : i32 to vector<16xi32>
      %parallel_loop3A_285 = arith.xori %iota3A, %parallel_loop3A_284 : vector<16xi32>
      %parallel_loop3A_286 = vector.shape_cast %parallel_loop3A_285 : vector<16xi32> to vector<16x1xi32>
      %parallel_loop3A_287 = vector.shape_cast %parallel_loop3A_286 : vector<16x1xi32> to vector<16xi32>
      %parallel_loop3A_288 = tpu.dynamic_gather %parallel_loop3A_282[%parallel_loop3A_287] in [0] : vector<16xf32>, vector<16xi32> -> vector<16xf32>
      %parallel_loop3A_289 = arith.addf %parallel_loop3A_282, %parallel_loop3A_288 : vector<16xf32>
      %parallel_loop3A_290 = arith.constant 0 : i32
      %parallel_loop3A_291 = vector.broadcast %parallel_loop3A_290 : i32 to vector<16xi32>
      %parallel_loop3A_292 = arith.cmpi eq, %iota3A, %parallel_loop3A_291 : vector<16xi32>
      %parallel_loop3A_293 = arith.index_cast %parallel_loop3A_166 : i32 to index
      %parallel_loop3A_294 = tpu.vector_load %arg11[%parallel_loop3A_293] masked %parallel_loop3A_292 {strides = array<i32>} : memref<144xf32, #tpu.memory_space<vmem>>, vector<16xf32>, vector<16xi1>
      tpu.vector_store %arg11[%parallel_loop3A_293], %parallel_loop3A_289 masked %parallel_loop3A_292 {strides = array<i32>} : memref<144xf32, #tpu.memory_space<vmem>>, vector<16xf32>, vector<16xi1>
    } {sc.loop_unroll_factor = 2 : i64, sc.parallel_access}
    %add3A_42 = arith.constant 0 : i32
    %add3A_43 = arith.addi %mul3A_2, %add3A_42 : i32
    %dma_start3A_44 = arith.constant 0 : i32
    %dma_start3A_45 = tpu.memref_slice %arg11[%dma_start3A_44] : memref<144xf32, #tpu.memory_space<vmem>> -> memref<128xf32, #tpu.memory_space<vmem>>
    %dma_start3A_46 = tpu.memref_slice %arg6[%add3A_43] : memref<16384xf32, #tpu.memory_space<hbm>> -> memref<128xf32, #tpu.memory_space<hbm>>
    %dma_start3A_47 = tpu.memref_slice %arg6[%add3A_43] : memref<16384xf32, #tpu.memory_space<hbm>> -> memref<128xf32, #tpu.memory_space<hbm>>
    %dma_start3A_48 = arith.constant 0 : i32
    %dma_start3A_49 = tpu.memref_slice %arg11[%dma_start3A_48] : memref<144xf32, #tpu.memory_space<vmem>> -> memref<128xf32, #tpu.memory_space<vmem>>
    tpu.enqueue_dma source(%dma_start3A_49 : memref<128xf32, #tpu.memory_space<vmem>>) target(%dma_start3A_47 : memref<128xf32, #tpu.memory_space<hbm>>) target_semaphore(%arg15 : memref<!tpu.dma_semaphore, #tpu.memory_space<semaphore_mem>>)
    %add3A_50 = arith.constant 256 : i32
    %add3A_51 = arith.addi %mul3A_2, %add3A_50 : i32
    "tpu.region"() ({
      %run_scoped3A = tpu.sem_alloc : memref<!tpu.dma_semaphore, #tpu.memory_space<semaphore_mem>>
      %dma_start3A_166 = tpu.memref_slice %arg3[%add3A_51] : memref<16384xi32, #tpu.memory_space<hbm>> -> memref<128xi32, #tpu.memory_space<hbm>>
      %dma_start3A_167 = tpu.memref_slice %arg3[%add3A_51] : memref<16384xi32, #tpu.memory_space<hbm>> -> memref<128xi32, #tpu.memory_space<hbm>>
      tpu.enqueue_dma source(%dma_start3A_167 : memref<128xi32, #tpu.memory_space<hbm>>) target(%arg7 : memref<128xi32, #tpu.memory_space<vmem>>) target_semaphore(%run_scoped3A : memref<!tpu.dma_semaphore, #tpu.memory_space<semaphore_mem>>)
      %dma_wait3A_168 = tpu.memref_slice %arg3[%add3A_51] : memref<16384xi32, #tpu.memory_space<hbm>> -> memref<128xi32, #tpu.memory_space<hbm>>
      %dma_wait3A_169 = tpu.memref_slice %arg3[%add3A_51] : memref<16384xi32, #tpu.memory_space<hbm>> -> memref<128xi32, #tpu.memory_space<hbm>>
      tpu.wait_dma2 semaphore(%run_scoped3A : memref<!tpu.dma_semaphore, #tpu.memory_space<semaphore_mem>>) src(%dma_wait3A_169 : memref<128xi32, #tpu.memory_space<hbm>>) dst(%arg7 : memref<128xi32, #tpu.memory_space<vmem>>)
      tpu.yield
    }) : () -> ()
    %dma_start3A_52 = arith.constant 0 : i32
    %dma_start3A_53 = arith.constant 0 : i32
    %dma_start3A_54 = tpu.memref_slice %arg25[%dma_start3A_52, %dma_start3A_53] : memref<1000x128xf32, #tpu.memory_space<vmem_shared>> -> memref<1000x128xf32, #tpu.memory_space<vmem_shared>>
    tpu.enqueue_indirect_dma source(%dma_start3A_54 : memref<1000x128xf32, #tpu.memory_space<vmem_shared>>) target(%arg10 : memref<128x128xf32, #tpu.memory_space<vmem>>) offsets(%arg7 : memref<128xi32, #tpu.memory_space<vmem>>) semaphore(%arg12 : memref<!tpu.dma_semaphore, #tpu.memory_space<semaphore_mem>>)
    %dma_start3A_55 = arith.constant 0 : i32
    %dma_start3A_56 = tpu.memref_slice %arg2[%add3A_51, %dma_start3A_55] : memref<16384x128xf32, #tpu.memory_space<hbm>> -> memref<128x128xf32, #tpu.memory_space<hbm>>
    %dma_start3A_57 = arith.constant 0 : i32
    %dma_start3A_58 = tpu.memref_slice %arg2[%add3A_51, %dma_start3A_57] : memref<16384x128xf32, #tpu.memory_space<hbm>> -> memref<128x128xf32, #tpu.memory_space<hbm>>
    tpu.enqueue_dma source(%dma_start3A_58 : memref<128x128xf32, #tpu.memory_space<hbm>>) target(%arg8 : memref<128x128xf32, #tpu.memory_space<vmem>>) target_semaphore(%arg13 : memref<!tpu.dma_semaphore, #tpu.memory_space<semaphore_mem>>)
    %dma_start3A_59 = arith.constant 0 : i32
    %dma_start3A_60 = tpu.memref_slice %arg4[%add3A_51, %dma_start3A_59] : memref<16384x128xf32, #tpu.memory_space<hbm>> -> memref<128x128xf32, #tpu.memory_space<hbm>>
    %dma_start3A_61 = arith.constant 0 : i32
    %dma_start3A_62 = tpu.memref_slice %arg4[%add3A_51, %dma_start3A_61] : memref<16384x128xf32, #tpu.memory_space<hbm>> -> memref<128x128xf32, #tpu.memory_space<hbm>>
    tpu.enqueue_dma source(%dma_start3A_62 : memref<128x128xf32, #tpu.memory_space<hbm>>) target(%arg9 : memref<128x128xf32, #tpu.memory_space<vmem>>) target_semaphore(%arg14 : memref<!tpu.dma_semaphore, #tpu.memory_space<semaphore_mem>>)
    %dma_wait3A_63 = arith.constant 0 : i32
    %dma_wait3A_64 = arith.constant 0 : i32
    %dma_wait3A_65 = tpu.memref_slice %arg25[%dma_wait3A_63, %dma_wait3A_64] : memref<1000x128xf32, #tpu.memory_space<vmem_shared>> -> memref<1000x128xf32, #tpu.memory_space<vmem_shared>>
    tpu.wait_indirect_dma semaphore(%arg21 : memref<!tpu.dma_semaphore, #tpu.memory_space<semaphore_mem>>) src(%dma_wait3A_65 : memref<1000x128xf32, #tpu.memory_space<vmem_shared>>) dst(%arg19 : memref<128x128xf32, #tpu.memory_space<vmem>>)
    %dma_wait3A_66 = arith.constant 0 : i32
    %dma_wait3A_67 = tpu.memref_slice %arg2[%add3A_18, %dma_wait3A_66] : memref<16384x128xf32, #tpu.memory_space<hbm>> -> memref<128x128xf32, #tpu.memory_space<hbm>>
    %dma_wait3A_68 = arith.constant 0 : i32
    %dma_wait3A_69 = tpu.memref_slice %arg2[%add3A_18, %dma_wait3A_68] : memref<16384x128xf32, #tpu.memory_space<hbm>> -> memref<128x128xf32, #tpu.memory_space<hbm>>
    tpu.wait_dma2 semaphore(%arg22 : memref<!tpu.dma_semaphore, #tpu.memory_space<semaphore_mem>>) src(%dma_wait3A_69 : memref<128x128xf32, #tpu.memory_space<hbm>>) dst(%arg17 : memref<128x128xf32, #tpu.memory_space<vmem>>)
    %dma_wait3A_70 = arith.constant 0 : i32
    %dma_wait3A_71 = tpu.memref_slice %arg4[%add3A_18, %dma_wait3A_70] : memref<16384x128xf32, #tpu.memory_space<hbm>> -> memref<128x128xf32, #tpu.memory_space<hbm>>
    %dma_wait3A_72 = arith.constant 0 : i32
    %dma_wait3A_73 = tpu.memref_slice %arg4[%add3A_18, %dma_wait3A_72] : memref<16384x128xf32, #tpu.memory_space<hbm>> -> memref<128x128xf32, #tpu.memory_space<hbm>>
    tpu.wait_dma2 semaphore(%arg23 : memref<!tpu.dma_semaphore, #tpu.memory_space<semaphore_mem>>) src(%dma_wait3A_73 : memref<128x128xf32, #tpu.memory_space<hbm>>) dst(%arg18 : memref<128x128xf32, #tpu.memory_space<vmem>>)
    %parallel_loop3A_74 = arith.constant 0 : i32
    %parallel_loop3A_75 = arith.constant 128 : i32
    %parallel_loop3A_76 = arith.constant 1 : i32
    scf.for %parallel_loop3A_166 = %parallel_loop3A_74 to %parallel_loop3A_75 step %parallel_loop3A_76  : i32 {
      %parallel_loop3A_167 = arith.index_cast %parallel_loop3A_166 : i32 to index
      %parallel_loop3A_168 = arith.constant 0 : index
      %parallel_loop3A_169 = tpu.vector_load %arg17[%parallel_loop3A_167, %parallel_loop3A_168] {strides = array<i32>} : memref<128x128xf32, #tpu.memory_space<vmem>>, vector<16xf32>,
      %parallel_loop3A_170 = arith.index_cast %parallel_loop3A_166 : i32 to index
      %parallel_loop3A_171 = arith.constant 0 : index
      %parallel_loop3A_172 = tpu.vector_load %arg19[%parallel_loop3A_170, %parallel_loop3A_171] {strides = array<i32>} : memref<128x128xf32, #tpu.memory_space<vmem>>, vector<16xf32>,
      %parallel_loop3A_173 = arith.mulf %parallel_loop3A_169, %parallel_loop3A_172 : vector<16xf32>
      %parallel_loop3A_174 = arith.index_cast %parallel_loop3A_166 : i32 to index
      %parallel_loop3A_175 = arith.constant 0 : index
      %parallel_loop3A_176 = tpu.vector_load %arg18[%parallel_loop3A_174, %parallel_loop3A_175] {strides = array<i32>} : memref<128x128xf32, #tpu.memory_space<vmem>>, vector<16xf32>,
      %parallel_loop3A_177 = arith.mulf %parallel_loop3A_173, %parallel_loop3A_176 : vector<16xf32>
      %parallel_loop3A_178 = arith.index_cast %parallel_loop3A_166 : i32 to index
      %parallel_loop3A_179 = arith.constant 16 : index
      %parallel_loop3A_180 = tpu.vector_load %arg17[%parallel_loop3A_178, %parallel_loop3A_179] {strides = array<i32>} : memref<128x128xf32, #tpu.memory_space<vmem>>, vector<16xf32>,
      %parallel_loop3A_181 = arith.index_cast %parallel_loop3A_166 : i32 to index
      %parallel_loop3A_182 = arith.constant 16 : index
      %parallel_loop3A_183 = tpu.vector_load %arg19[%parallel_loop3A_181, %parallel_loop3A_182] {strides = array<i32>} : memref<128x128xf32, #tpu.memory_space<vmem>>, vector<16xf32>,
      %parallel_loop3A_184 = arith.mulf %parallel_loop3A_180, %parallel_loop3A_183 : vector<16xf32>
      %parallel_loop3A_185 = arith.index_cast %parallel_loop3A_166 : i32 to index
      %parallel_loop3A_186 = arith.constant 16 : index
      %parallel_loop3A_187 = tpu.vector_load %arg18[%parallel_loop3A_185, %parallel_loop3A_186] {strides = array<i32>} : memref<128x128xf32, #tpu.memory_space<vmem>>, vector<16xf32>,
      %parallel_loop3A_188 = arith.mulf %parallel_loop3A_184, %parallel_loop3A_187 : vector<16xf32>
      %parallel_loop3A_189 = arith.addf %parallel_loop3A_177, %parallel_loop3A_188 : vector<16xf32>
      %parallel_loop3A_190 = arith.index_cast %parallel_loop3A_166 : i32 to index
      %parallel_loop3A_191 = arith.constant 32 : index
      %parallel_loop3A_192 = tpu.vector_load %arg17[%parallel_loop3A_190, %parallel_loop3A_191] {strides = array<i32>} : memref<128x128xf32, #tpu.memory_space<vmem>>, vector<16xf32>,
      %parallel_loop3A_193 = arith.index_cast %parallel_loop3A_166 : i32 to index
      %parallel_loop3A_194 = arith.constant 32 : index
      %parallel_loop3A_195 = tpu.vector_load %arg19[%parallel_loop3A_193, %parallel_loop3A_194] {strides = array<i32>} : memref<128x128xf32, #tpu.memory_space<vmem>>, vector<16xf32>,
      %parallel_loop3A_196 = arith.mulf %parallel_loop3A_192, %parallel_loop3A_195 : vector<16xf32>
      %parallel_loop3A_197 = arith.index_cast %parallel_loop3A_166 : i32 to index
      %parallel_loop3A_198 = arith.constant 32 : index
      %parallel_loop3A_199 = tpu.vector_load %arg18[%parallel_loop3A_197, %parallel_loop3A_198] {strides = array<i32>} : memref<128x128xf32, #tpu.memory_space<vmem>>, vector<16xf32>,
      %parallel_loop3A_200 = arith.mulf %parallel_loop3A_196, %parallel_loop3A_199 : vector<16xf32>
      %parallel_loop3A_201 = arith.addf %parallel_loop3A_189, %parallel_loop3A_200 : vector<16xf32>
      %parallel_loop3A_202 = arith.index_cast %parallel_loop3A_166 : i32 to index
      %parallel_loop3A_203 = arith.constant 48 : index
      %parallel_loop3A_204 = tpu.vector_load %arg17[%parallel_loop3A_202, %parallel_loop3A_203] {strides = array<i32>} : memref<128x128xf32, #tpu.memory_space<vmem>>, vector<16xf32>,
      %parallel_loop3A_205 = arith.index_cast %parallel_loop3A_166 : i32 to index
      %parallel_loop3A_206 = arith.constant 48 : index
      %parallel_loop3A_207 = tpu.vector_load %arg19[%parallel_loop3A_205, %parallel_loop3A_206] {strides = array<i32>} : memref<128x128xf32, #tpu.memory_space<vmem>>, vector<16xf32>,
      %parallel_loop3A_208 = arith.mulf %parallel_loop3A_204, %parallel_loop3A_207 : vector<16xf32>
      %parallel_loop3A_209 = arith.index_cast %parallel_loop3A_166 : i32 to index
      %parallel_loop3A_210 = arith.constant 48 : index
      %parallel_loop3A_211 = tpu.vector_load %arg18[%parallel_loop3A_209, %parallel_loop3A_210] {strides = array<i32>} : memref<128x128xf32, #tpu.memory_space<vmem>>, vector<16xf32>,
      %parallel_loop3A_212 = arith.mulf %parallel_loop3A_208, %parallel_loop3A_211 : vector<16xf32>
      %parallel_loop3A_213 = arith.addf %parallel_loop3A_201, %parallel_loop3A_212 : vector<16xf32>
      %parallel_loop3A_214 = arith.index_cast %parallel_loop3A_166 : i32 to index
      %parallel_loop3A_215 = arith.constant 64 : index
      %parallel_loop3A_216 = tpu.vector_load %arg17[%parallel_loop3A_214, %parallel_loop3A_215] {strides = array<i32>} : memref<128x128xf32, #tpu.memory_space<vmem>>, vector<16xf32>,
      %parallel_loop3A_217 = arith.index_cast %parallel_loop3A_166 : i32 to index
      %parallel_loop3A_218 = arith.constant 64 : index
      %parallel_loop3A_219 = tpu.vector_load %arg19[%parallel_loop3A_217, %parallel_loop3A_218] {strides = array<i32>} : memref<128x128xf32, #tpu.memory_space<vmem>>, vector<16xf32>,
      %parallel_loop3A_220 = arith.mulf %parallel_loop3A_216, %parallel_loop3A_219 : vector<16xf32>
      %parallel_loop3A_221 = arith.index_cast %parallel_loop3A_166 : i32 to index
      %parallel_loop3A_222 = arith.constant 64 : index
      %parallel_loop3A_223 = tpu.vector_load %arg18[%parallel_loop3A_221, %parallel_loop3A_222] {strides = array<i32>} : memref<128x128xf32, #tpu.memory_space<vmem>>, vector<16xf32>,
      %parallel_loop3A_224 = arith.mulf %parallel_loop3A_220, %parallel_loop3A_223 : vector<16xf32>
      %parallel_loop3A_225 = arith.addf %parallel_loop3A_213, %parallel_loop3A_224 : vector<16xf32>
      %parallel_loop3A_226 = arith.index_cast %parallel_loop3A_166 : i32 to index
      %parallel_loop3A_227 = arith.constant 80 : index
      %parallel_loop3A_228 = tpu.vector_load %arg17[%parallel_loop3A_226, %parallel_loop3A_227] {strides = array<i32>} : memref<128x128xf32, #tpu.memory_space<vmem>>, vector<16xf32>,
      %parallel_loop3A_229 = arith.index_cast %parallel_loop3A_166 : i32 to index
      %parallel_loop3A_230 = arith.constant 80 : index
      %parallel_loop3A_231 = tpu.vector_load %arg19[%parallel_loop3A_229, %parallel_loop3A_230] {strides = array<i32>} : memref<128x128xf32, #tpu.memory_space<vmem>>, vector<16xf32>,
      %parallel_loop3A_232 = arith.mulf %parallel_loop3A_228, %parallel_loop3A_231 : vector<16xf32>
      %parallel_loop3A_233 = arith.index_cast %parallel_loop3A_166 : i32 to index
      %parallel_loop3A_234 = arith.constant 80 : index
      %parallel_loop3A_235 = tpu.vector_load %arg18[%parallel_loop3A_233, %parallel_loop3A_234] {strides = array<i32>} : memref<128x128xf32, #tpu.memory_space<vmem>>, vector<16xf32>,
      %parallel_loop3A_236 = arith.mulf %parallel_loop3A_232, %parallel_loop3A_235 : vector<16xf32>
      %parallel_loop3A_237 = arith.addf %parallel_loop3A_225, %parallel_loop3A_236 : vector<16xf32>
      %parallel_loop3A_238 = arith.index_cast %parallel_loop3A_166 : i32 to index
      %parallel_loop3A_239 = arith.constant 96 : index
      %parallel_loop3A_240 = tpu.vector_load %arg17[%parallel_loop3A_238, %parallel_loop3A_239] {strides = array<i32>} : memref<128x128xf32, #tpu.memory_space<vmem>>, vector<16xf32>,
      %parallel_loop3A_241 = arith.index_cast %parallel_loop3A_166 : i32 to index
      %parallel_loop3A_242 = arith.constant 96 : index
      %parallel_loop3A_243 = tpu.vector_load %arg19[%parallel_loop3A_241, %parallel_loop3A_242] {strides = array<i32>} : memref<128x128xf32, #tpu.memory_space<vmem>>, vector<16xf32>,
      %parallel_loop3A_244 = arith.mulf %parallel_loop3A_240, %parallel_loop3A_243 : vector<16xf32>
      %parallel_loop3A_245 = arith.index_cast %parallel_loop3A_166 : i32 to index
      %parallel_loop3A_246 = arith.constant 96 : index
      %parallel_loop3A_247 = tpu.vector_load %arg18[%parallel_loop3A_245, %parallel_loop3A_246] {strides = array<i32>} : memref<128x128xf32, #tpu.memory_space<vmem>>, vector<16xf32>,
      %parallel_loop3A_248 = arith.mulf %parallel_loop3A_244, %parallel_loop3A_247 : vector<16xf32>
      %parallel_loop3A_249 = arith.addf %parallel_loop3A_237, %parallel_loop3A_248 : vector<16xf32>
      %parallel_loop3A_250 = arith.index_cast %parallel_loop3A_166 : i32 to index
      %parallel_loop3A_251 = arith.constant 112 : index
      %parallel_loop3A_252 = tpu.vector_load %arg17[%parallel_loop3A_250, %parallel_loop3A_251] {strides = array<i32>} : memref<128x128xf32, #tpu.memory_space<vmem>>, vector<16xf32>,
      %parallel_loop3A_253 = arith.index_cast %parallel_loop3A_166 : i32 to index
      %parallel_loop3A_254 = arith.constant 112 : index
      %parallel_loop3A_255 = tpu.vector_load %arg19[%parallel_loop3A_253, %parallel_loop3A_254] {strides = array<i32>} : memref<128x128xf32, #tpu.memory_space<vmem>>, vector<16xf32>,
      %parallel_loop3A_256 = arith.mulf %parallel_loop3A_252, %parallel_loop3A_255 : vector<16xf32>
      %parallel_loop3A_257 = arith.index_cast %parallel_loop3A_166 : i32 to index
      %parallel_loop3A_258 = arith.constant 112 : index
      %parallel_loop3A_259 = tpu.vector_load %arg18[%parallel_loop3A_257, %parallel_loop3A_258] {strides = array<i32>} : memref<128x128xf32, #tpu.memory_space<vmem>>, vector<16xf32>,
      %parallel_loop3A_260 = arith.mulf %parallel_loop3A_256, %parallel_loop3A_259 : vector<16xf32>
      %parallel_loop3A_261 = arith.addf %parallel_loop3A_249, %parallel_loop3A_260 : vector<16xf32>
      %parallel_loop3A_262 = arith.constant 1 : i32
      %parallel_loop3A_263 = vector.broadcast %parallel_loop3A_262 : i32 to vector<16xi32>
      %parallel_loop3A_264 = arith.xori %iota3A, %parallel_loop3A_263 : vector<16xi32>
      %parallel_loop3A_265 = vector.shape_cast %parallel_loop3A_264 : vector<16xi32> to vector<16x1xi32>
      %parallel_loop3A_266 = vector.shape_cast %parallel_loop3A_265 : vector<16x1xi32> to vector<16xi32>
      %parallel_loop3A_267 = tpu.dynamic_gather %parallel_loop3A_261[%parallel_loop3A_266] in [0] : vector<16xf32>, vector<16xi32> -> vector<16xf32>
      %parallel_loop3A_268 = arith.addf %parallel_loop3A_261, %parallel_loop3A_267 : vector<16xf32>
      %parallel_loop3A_269 = arith.constant 2 : i32
      %parallel_loop3A_270 = vector.broadcast %parallel_loop3A_269 : i32 to vector<16xi32>
      %parallel_loop3A_271 = arith.xori %iota3A, %parallel_loop3A_270 : vector<16xi32>
      %parallel_loop3A_272 = vector.shape_cast %parallel_loop3A_271 : vector<16xi32> to vector<16x1xi32>
      %parallel_loop3A_273 = vector.shape_cast %parallel_loop3A_272 : vector<16x1xi32> to vector<16xi32>
      %parallel_loop3A_274 = tpu.dynamic_gather %parallel_loop3A_268[%parallel_loop3A_273] in [0] : vector<16xf32>, vector<16xi32> -> vector<16xf32>
      %parallel_loop3A_275 = arith.addf %parallel_loop3A_268, %parallel_loop3A_274 : vector<16xf32>
      %parallel_loop3A_276 = arith.constant 4 : i32
      %parallel_loop3A_277 = vector.broadcast %parallel_loop3A_276 : i32 to vector<16xi32>
      %parallel_loop3A_278 = arith.xori %iota3A, %parallel_loop3A_277 : vector<16xi32>
      %parallel_loop3A_279 = vector.shape_cast %parallel_loop3A_278 : vector<16xi32> to vector<16x1xi32>
      %parallel_loop3A_280 = vector.shape_cast %parallel_loop3A_279 : vector<16x1xi32> to vector<16xi32>
      %parallel_loop3A_281 = tpu.dynamic_gather %parallel_loop3A_275[%parallel_loop3A_280] in [0] : vector<16xf32>, vector<16xi32> -> vector<16xf32>
      %parallel_loop3A_282 = arith.addf %parallel_loop3A_275, %parallel_loop3A_281 : vector<16xf32>
      %parallel_loop3A_283 = arith.constant 8 : i32
      %parallel_loop3A_284 = vector.broadcast %parallel_loop3A_283 : i32 to vector<16xi32>
      %parallel_loop3A_285 = arith.xori %iota3A, %parallel_loop3A_284 : vector<16xi32>
      %parallel_loop3A_286 = vector.shape_cast %parallel_loop3A_285 : vector<16xi32> to vector<16x1xi32>
      %parallel_loop3A_287 = vector.shape_cast %parallel_loop3A_286 : vector<16x1xi32> to vector<16xi32>
      %parallel_loop3A_288 = tpu.dynamic_gather %parallel_loop3A_282[%parallel_loop3A_287] in [0] : vector<16xf32>, vector<16xi32> -> vector<16xf32>
      %parallel_loop3A_289 = arith.addf %parallel_loop3A_282, %parallel_loop3A_288 : vector<16xf32>
      %parallel_loop3A_290 = arith.constant 0 : i32
      %parallel_loop3A_291 = vector.broadcast %parallel_loop3A_290 : i32 to vector<16xi32>
      %parallel_loop3A_292 = arith.cmpi eq, %iota3A, %parallel_loop3A_291 : vector<16xi32>
      %parallel_loop3A_293 = arith.index_cast %parallel_loop3A_166 : i32 to index
      %parallel_loop3A_294 = tpu.vector_load %arg20[%parallel_loop3A_293] masked %parallel_loop3A_292 {strides = array<i32>} : memref<144xf32, #tpu.memory_space<vmem>>, vector<16xf32>, vector<16xi1>
      tpu.vector_store %arg20[%parallel_loop3A_293], %parallel_loop3A_289 masked %parallel_loop3A_292 {strides = array<i32>} : memref<144xf32, #tpu.memory_space<vmem>>, vector<16xf32>, vector<16xi1>
    } {sc.loop_unroll_factor = 2 : i64, sc.parallel_access}
    %add3A_77 = arith.constant 128 : i32
    %add3A_78 = arith.addi %mul3A_2, %add3A_77 : i32
    %dma_start3A_79 = arith.constant 0 : i32
    %dma_start3A_80 = tpu.memref_slice %arg20[%dma_start3A_79] : memref<144xf32, #tpu.memory_space<vmem>> -> memref<128xf32, #tpu.memory_space<vmem>>
    %dma_start3A_81 = tpu.memref_slice %arg6[%add3A_78] : memref<16384xf32, #tpu.memory_space<hbm>> -> memref<128xf32, #tpu.memory_space<hbm>>
    %dma_start3A_82 = tpu.memref_slice %arg6[%add3A_78] : memref<16384xf32, #tpu.memory_space<hbm>> -> memref<128xf32, #tpu.memory_space<hbm>>
    %dma_start3A_83 = arith.constant 0 : i32
    %dma_start3A_84 = tpu.memref_slice %arg20[%dma_start3A_83] : memref<144xf32, #tpu.memory_space<vmem>> -> memref<128xf32, #tpu.memory_space<vmem>>
    tpu.enqueue_dma source(%dma_start3A_84 : memref<128xf32, #tpu.memory_space<vmem>>) target(%dma_start3A_82 : memref<128xf32, #tpu.memory_space<hbm>>) target_semaphore(%arg24 : memref<!tpu.dma_semaphore, #tpu.memory_space<semaphore_mem>>)
    %add3A_85 = arith.constant 384 : i32
    %add3A_86 = arith.addi %mul3A_2, %add3A_85 : i32
    "tpu.region"() ({
      %run_scoped3A = tpu.sem_alloc : memref<!tpu.dma_semaphore, #tpu.memory_space<semaphore_mem>>
      %dma_start3A_166 = tpu.memref_slice %arg3[%add3A_86] : memref<16384xi32, #tpu.memory_space<hbm>> -> memref<128xi32, #tpu.memory_space<hbm>>
      %dma_start3A_167 = tpu.memref_slice %arg3[%add3A_86] : memref<16384xi32, #tpu.memory_space<hbm>> -> memref<128xi32, #tpu.memory_space<hbm>>
      tpu.enqueue_dma source(%dma_start3A_167 : memref<128xi32, #tpu.memory_space<hbm>>) target(%arg16 : memref<128xi32, #tpu.memory_space<vmem>>) target_semaphore(%run_scoped3A : memref<!tpu.dma_semaphore, #tpu.memory_space<semaphore_mem>>)
      %dma_wait3A_168 = tpu.memref_slice %arg3[%add3A_86] : memref<16384xi32, #tpu.memory_space<hbm>> -> memref<128xi32, #tpu.memory_space<hbm>>
      %dma_wait3A_169 = tpu.memref_slice %arg3[%add3A_86] : memref<16384xi32, #tpu.memory_space<hbm>> -> memref<128xi32, #tpu.memory_space<hbm>>
      tpu.wait_dma2 semaphore(%run_scoped3A : memref<!tpu.dma_semaphore, #tpu.memory_space<semaphore_mem>>) src(%dma_wait3A_169 : memref<128xi32, #tpu.memory_space<hbm>>) dst(%arg16 : memref<128xi32, #tpu.memory_space<vmem>>)
      tpu.yield
    }) : () -> ()
    %dma_start3A_87 = arith.constant 0 : i32
    %dma_start3A_88 = arith.constant 0 : i32
    %dma_start3A_89 = tpu.memref_slice %arg25[%dma_start3A_87, %dma_start3A_88] : memref<1000x128xf32, #tpu.memory_space<vmem_shared>> -> memref<1000x128xf32, #tpu.memory_space<vmem_shared>>
    tpu.enqueue_indirect_dma source(%dma_start3A_89 : memref<1000x128xf32, #tpu.memory_space<vmem_shared>>) target(%arg19 : memref<128x128xf32, #tpu.memory_space<vmem>>) offsets(%arg16 : memref<128xi32, #tpu.memory_space<vmem>>) semaphore(%arg21 : memref<!tpu.dma_semaphore, #tpu.memory_space<semaphore_mem>>)
    %dma_start3A_90 = arith.constant 0 : i32
    %dma_start3A_91 = tpu.memref_slice %arg2[%add3A_86, %dma_start3A_90] : memref<16384x128xf32, #tpu.memory_space<hbm>> -> memref<128x128xf32, #tpu.memory_space<hbm>>
    %dma_start3A_92 = arith.constant 0 : i32
    %dma_start3A_93 = tpu.memref_slice %arg2[%add3A_86, %dma_start3A_92] : memref<16384x128xf32, #tpu.memory_space<hbm>> -> memref<128x128xf32, #tpu.memory_space<hbm>>
    tpu.enqueue_dma source(%dma_start3A_93 : memref<128x128xf32, #tpu.memory_space<hbm>>) target(%arg17 : memref<128x128xf32, #tpu.memory_space<vmem>>) target_semaphore(%arg22 : memref<!tpu.dma_semaphore, #tpu.memory_space<semaphore_mem>>)
    %dma_start3A_94 = arith.constant 0 : i32
    %dma_start3A_95 = tpu.memref_slice %arg4[%add3A_86, %dma_start3A_94] : memref<16384x128xf32, #tpu.memory_space<hbm>> -> memref<128x128xf32, #tpu.memory_space<hbm>>
    %dma_start3A_96 = arith.constant 0 : i32
    %dma_start3A_97 = tpu.memref_slice %arg4[%add3A_86, %dma_start3A_96] : memref<16384x128xf32, #tpu.memory_space<hbm>> -> memref<128x128xf32, #tpu.memory_space<hbm>>
    tpu.enqueue_dma source(%dma_start3A_97 : memref<128x128xf32, #tpu.memory_space<hbm>>) target(%arg18 : memref<128x128xf32, #tpu.memory_space<vmem>>) target_semaphore(%arg23 : memref<!tpu.dma_semaphore, #tpu.memory_space<semaphore_mem>>)
    %dma_wait3A_98 = arith.constant 0 : i32
    %dma_wait3A_99 = arith.constant 0 : i32
    %dma_wait3A_100 = tpu.memref_slice %arg25[%dma_wait3A_98, %dma_wait3A_99] : memref<1000x128xf32, #tpu.memory_space<vmem_shared>> -> memref<1000x128xf32, #tpu.memory_space<vmem_shared>>
    tpu.wait_indirect_dma semaphore(%arg12 : memref<!tpu.dma_semaphore, #tpu.memory_space<semaphore_mem>>) src(%dma_wait3A_100 : memref<1000x128xf32, #tpu.memory_space<vmem_shared>>) dst(%arg10 : memref<128x128xf32, #tpu.memory_space<vmem>>)
    %dma_wait3A_101 = arith.constant 0 : i32
    %dma_wait3A_102 = tpu.memref_slice %arg2[%add3A_51, %dma_wait3A_101] : memref<16384x128xf32, #tpu.memory_space<hbm>> -> memref<128x128xf32, #tpu.memory_space<hbm>>
    %dma_wait3A_103 = arith.constant 0 : i32
    %dma_wait3A_104 = tpu.memref_slice %arg2[%add3A_51, %dma_wait3A_103] : memref<16384x128xf32, #tpu.memory_space<hbm>> -> memref<128x128xf32, #tpu.memory_space<hbm>>
    tpu.wait_dma2 semaphore(%arg13 : memref<!tpu.dma_semaphore, #tpu.memory_space<semaphore_mem>>) src(%dma_wait3A_104 : memref<128x128xf32, #tpu.memory_space<hbm>>) dst(%arg8 : memref<128x128xf32, #tpu.memory_space<vmem>>)
    %dma_wait3A_105 = arith.constant 0 : i32
    %dma_wait3A_106 = tpu.memref_slice %arg4[%add3A_51, %dma_wait3A_105] : memref<16384x128xf32, #tpu.memory_space<hbm>> -> memref<128x128xf32, #tpu.memory_space<hbm>>
    %dma_wait3A_107 = arith.constant 0 : i32
    %dma_wait3A_108 = tpu.memref_slice %arg4[%add3A_51, %dma_wait3A_107] : memref<16384x128xf32, #tpu.memory_space<hbm>> -> memref<128x128xf32, #tpu.memory_space<hbm>>
    tpu.wait_dma2 semaphore(%arg14 : memref<!tpu.dma_semaphore, #tpu.memory_space<semaphore_mem>>) src(%dma_wait3A_108 : memref<128x128xf32, #tpu.memory_space<hbm>>) dst(%arg9 : memref<128x128xf32, #tpu.memory_space<vmem>>)
    %dma_wait3A_109 = arith.constant 0 : i32
    %dma_wait3A_110 = tpu.memref_slice %arg11[%dma_wait3A_109] : memref<144xf32, #tpu.memory_space<vmem>> -> memref<128xf32, #tpu.memory_space<vmem>>
    %dma_wait3A_111 = tpu.memref_slice %arg6[%add3A_43] : memref<16384xf32, #tpu.memory_space<hbm>> -> memref<128xf32, #tpu.memory_space<hbm>>
    %dma_wait3A_112 = tpu.memref_slice %arg6[%add3A_43] : memref<16384xf32, #tpu.memory_space<hbm>> -> memref<128xf32, #tpu.memory_space<hbm>>
    %dma_wait3A_113 = arith.constant 0 : i32
    %dma_wait3A_114 = tpu.memref_slice %arg11[%dma_wait3A_113] : memref<144xf32, #tpu.memory_space<vmem>> -> memref<128xf32, #tpu.memory_space<vmem>>
    tpu.wait_dma2 semaphore(%arg15 : memref<!tpu.dma_semaphore, #tpu.memory_space<semaphore_mem>>) src(%dma_wait3A_114 : memref<128xf32, #tpu.memory_space<vmem>>) dst(%dma_wait3A_112 : memref<128xf32, #tpu.memory_space<hbm>>)
    %parallel_loop3A_115 = arith.constant 0 : i32
    %parallel_loop3A_116 = arith.constant 128 : i32
    %parallel_loop3A_117 = arith.constant 1 : i32
    scf.for %parallel_loop3A_166 = %parallel_loop3A_115 to %parallel_loop3A_116 step %parallel_loop3A_117  : i32 {
      %parallel_loop3A_167 = arith.index_cast %parallel_loop3A_166 : i32 to index
      %parallel_loop3A_168 = arith.constant 0 : index
      %parallel_loop3A_169 = tpu.vector_load %arg8[%parallel_loop3A_167, %parallel_loop3A_168] {strides = array<i32>} : memref<128x128xf32, #tpu.memory_space<vmem>>, vector<16xf32>,
      %parallel_loop3A_170 = arith.index_cast %parallel_loop3A_166 : i32 to index
      %parallel_loop3A_171 = arith.constant 0 : index
      %parallel_loop3A_172 = tpu.vector_load %arg10[%parallel_loop3A_170, %parallel_loop3A_171] {strides = array<i32>} : memref<128x128xf32, #tpu.memory_space<vmem>>, vector<16xf32>,
      %parallel_loop3A_173 = arith.mulf %parallel_loop3A_169, %parallel_loop3A_172 : vector<16xf32>
      %parallel_loop3A_174 = arith.index_cast %parallel_loop3A_166 : i32 to index
      %parallel_loop3A_175 = arith.constant 0 : index
      %parallel_loop3A_176 = tpu.vector_load %arg9[%parallel_loop3A_174, %parallel_loop3A_175] {strides = array<i32>} : memref<128x128xf32, #tpu.memory_space<vmem>>, vector<16xf32>,
      %parallel_loop3A_177 = arith.mulf %parallel_loop3A_173, %parallel_loop3A_176 : vector<16xf32>
      %parallel_loop3A_178 = arith.index_cast %parallel_loop3A_166 : i32 to index
      %parallel_loop3A_179 = arith.constant 16 : index
      %parallel_loop3A_180 = tpu.vector_load %arg8[%parallel_loop3A_178, %parallel_loop3A_179] {strides = array<i32>} : memref<128x128xf32, #tpu.memory_space<vmem>>, vector<16xf32>,
      %parallel_loop3A_181 = arith.index_cast %parallel_loop3A_166 : i32 to index
      %parallel_loop3A_182 = arith.constant 16 : index
      %parallel_loop3A_183 = tpu.vector_load %arg10[%parallel_loop3A_181, %parallel_loop3A_182] {strides = array<i32>} : memref<128x128xf32, #tpu.memory_space<vmem>>, vector<16xf32>,
      %parallel_loop3A_184 = arith.mulf %parallel_loop3A_180, %parallel_loop3A_183 : vector<16xf32>
      %parallel_loop3A_185 = arith.index_cast %parallel_loop3A_166 : i32 to index
      %parallel_loop3A_186 = arith.constant 16 : index
      %parallel_loop3A_187 = tpu.vector_load %arg9[%parallel_loop3A_185, %parallel_loop3A_186] {strides = array<i32>} : memref<128x128xf32, #tpu.memory_space<vmem>>, vector<16xf32>,
      %parallel_loop3A_188 = arith.mulf %parallel_loop3A_184, %parallel_loop3A_187 : vector<16xf32>
      %parallel_loop3A_189 = arith.addf %parallel_loop3A_177, %parallel_loop3A_188 : vector<16xf32>
      %parallel_loop3A_190 = arith.index_cast %parallel_loop3A_166 : i32 to index
      %parallel_loop3A_191 = arith.constant 32 : index
      %parallel_loop3A_192 = tpu.vector_load %arg8[%parallel_loop3A_190, %parallel_loop3A_191] {strides = array<i32>} : memref<128x128xf32, #tpu.memory_space<vmem>>, vector<16xf32>,
      %parallel_loop3A_193 = arith.index_cast %parallel_loop3A_166 : i32 to index
      %parallel_loop3A_194 = arith.constant 32 : index
      %parallel_loop3A_195 = tpu.vector_load %arg10[%parallel_loop3A_193, %parallel_loop3A_194] {strides = array<i32>} : memref<128x128xf32, #tpu.memory_space<vmem>>, vector<16xf32>,
      %parallel_loop3A_196 = arith.mulf %parallel_loop3A_192, %parallel_loop3A_195 : vector<16xf32>
      %parallel_loop3A_197 = arith.index_cast %parallel_loop3A_166 : i32 to index
      %parallel_loop3A_198 = arith.constant 32 : index
      %parallel_loop3A_199 = tpu.vector_load %arg9[%parallel_loop3A_197, %parallel_loop3A_198] {strides = array<i32>} : memref<128x128xf32, #tpu.memory_space<vmem>>, vector<16xf32>,
      %parallel_loop3A_200 = arith.mulf %parallel_loop3A_196, %parallel_loop3A_199 : vector<16xf32>
      %parallel_loop3A_201 = arith.addf %parallel_loop3A_189, %parallel_loop3A_200 : vector<16xf32>
      %parallel_loop3A_202 = arith.index_cast %parallel_loop3A_166 : i32 to index
      %parallel_loop3A_203 = arith.constant 48 : index
      %parallel_loop3A_204 = tpu.vector_load %arg8[%parallel_loop3A_202, %parallel_loop3A_203] {strides = array<i32>} : memref<128x128xf32, #tpu.memory_space<vmem>>, vector<16xf32>,
      %parallel_loop3A_205 = arith.index_cast %parallel_loop3A_166 : i32 to index
      %parallel_loop3A_206 = arith.constant 48 : index
      %parallel_loop3A_207 = tpu.vector_load %arg10[%parallel_loop3A_205, %parallel_loop3A_206] {strides = array<i32>} : memref<128x128xf32, #tpu.memory_space<vmem>>, vector<16xf32>,
      %parallel_loop3A_208 = arith.mulf %parallel_loop3A_204, %parallel_loop3A_207 : vector<16xf32>
      %parallel_loop3A_209 = arith.index_cast %parallel_loop3A_166 : i32 to index
      %parallel_loop3A_210 = arith.constant 48 : index
      %parallel_loop3A_211 = tpu.vector_load %arg9[%parallel_loop3A_209, %parallel_loop3A_210] {strides = array<i32>} : memref<128x128xf32, #tpu.memory_space<vmem>>, vector<16xf32>,
      %parallel_loop3A_212 = arith.mulf %parallel_loop3A_208, %parallel_loop3A_211 : vector<16xf32>
      %parallel_loop3A_213 = arith.addf %parallel_loop3A_201, %parallel_loop3A_212 : vector<16xf32>
      %parallel_loop3A_214 = arith.index_cast %parallel_loop3A_166 : i32 to index
      %parallel_loop3A_215 = arith.constant 64 : index
      %parallel_loop3A_216 = tpu.vector_load %arg8[%parallel_loop3A_214, %parallel_loop3A_215] {strides = array<i32>} : memref<128x128xf32, #tpu.memory_space<vmem>>, vector<16xf32>,
      %parallel_loop3A_217 = arith.index_cast %parallel_loop3A_166 : i32 to index
      %parallel_loop3A_218 = arith.constant 64 : index
      %parallel_loop3A_219 = tpu.vector_load %arg10[%parallel_loop3A_217, %parallel_loop3A_218] {strides = array<i32>} : memref<128x128xf32, #tpu.memory_space<vmem>>, vector<16xf32>,
      %parallel_loop3A_220 = arith.mulf %parallel_loop3A_216, %parallel_loop3A_219 : vector<16xf32>
      %parallel_loop3A_221 = arith.index_cast %parallel_loop3A_166 : i32 to index
      %parallel_loop3A_222 = arith.constant 64 : index
      %parallel_loop3A_223 = tpu.vector_load %arg9[%parallel_loop3A_221, %parallel_loop3A_222] {strides = array<i32>} : memref<128x128xf32, #tpu.memory_space<vmem>>, vector<16xf32>,
      %parallel_loop3A_224 = arith.mulf %parallel_loop3A_220, %parallel_loop3A_223 : vector<16xf32>
      %parallel_loop3A_225 = arith.addf %parallel_loop3A_213, %parallel_loop3A_224 : vector<16xf32>
      %parallel_loop3A_226 = arith.index_cast %parallel_loop3A_166 : i32 to index
      %parallel_loop3A_227 = arith.constant 80 : index
      %parallel_loop3A_228 = tpu.vector_load %arg8[%parallel_loop3A_226, %parallel_loop3A_227] {strides = array<i32>} : memref<128x128xf32, #tpu.memory_space<vmem>>, vector<16xf32>,
      %parallel_loop3A_229 = arith.index_cast %parallel_loop3A_166 : i32 to index
      %parallel_loop3A_230 = arith.constant 80 : index
      %parallel_loop3A_231 = tpu.vector_load %arg10[%parallel_loop3A_229, %parallel_loop3A_230] {strides = array<i32>} : memref<128x128xf32, #tpu.memory_space<vmem>>, vector<16xf32>,
      %parallel_loop3A_232 = arith.mulf %parallel_loop3A_228, %parallel_loop3A_231 : vector<16xf32>
      %parallel_loop3A_233 = arith.index_cast %parallel_loop3A_166 : i32 to index
      %parallel_loop3A_234 = arith.constant 80 : index
      %parallel_loop3A_235 = tpu.vector_load %arg9[%parallel_loop3A_233, %parallel_loop3A_234] {strides = array<i32>} : memref<128x128xf32, #tpu.memory_space<vmem>>, vector<16xf32>,
      %parallel_loop3A_236 = arith.mulf %parallel_loop3A_232, %parallel_loop3A_235 : vector<16xf32>
      %parallel_loop3A_237 = arith.addf %parallel_loop3A_225, %parallel_loop3A_236 : vector<16xf32>
      %parallel_loop3A_238 = arith.index_cast %parallel_loop3A_166 : i32 to index
      %parallel_loop3A_239 = arith.constant 96 : index
      %parallel_loop3A_240 = tpu.vector_load %arg8[%parallel_loop3A_238, %parallel_loop3A_239] {strides = array<i32>} : memref<128x128xf32, #tpu.memory_space<vmem>>, vector<16xf32>,
      %parallel_loop3A_241 = arith.index_cast %parallel_loop3A_166 : i32 to index
      %parallel_loop3A_242 = arith.constant 96 : index
      %parallel_loop3A_243 = tpu.vector_load %arg10[%parallel_loop3A_241, %parallel_loop3A_242] {strides = array<i32>} : memref<128x128xf32, #tpu.memory_space<vmem>>, vector<16xf32>,
      %parallel_loop3A_244 = arith.mulf %parallel_loop3A_240, %parallel_loop3A_243 : vector<16xf32>
      %parallel_loop3A_245 = arith.index_cast %parallel_loop3A_166 : i32 to index
      %parallel_loop3A_246 = arith.constant 96 : index
      %parallel_loop3A_247 = tpu.vector_load %arg9[%parallel_loop3A_245, %parallel_loop3A_246] {strides = array<i32>} : memref<128x128xf32, #tpu.memory_space<vmem>>, vector<16xf32>,
      %parallel_loop3A_248 = arith.mulf %parallel_loop3A_244, %parallel_loop3A_247 : vector<16xf32>
      %parallel_loop3A_249 = arith.addf %parallel_loop3A_237, %parallel_loop3A_248 : vector<16xf32>
      %parallel_loop3A_250 = arith.index_cast %parallel_loop3A_166 : i32 to index
      %parallel_loop3A_251 = arith.constant 112 : index
      %parallel_loop3A_252 = tpu.vector_load %arg8[%parallel_loop3A_250, %parallel_loop3A_251] {strides = array<i32>} : memref<128x128xf32, #tpu.memory_space<vmem>>, vector<16xf32>,
      %parallel_loop3A_253 = arith.index_cast %parallel_loop3A_166 : i32 to index
      %parallel_loop3A_254 = arith.constant 112 : index
      %parallel_loop3A_255 = tpu.vector_load %arg10[%parallel_loop3A_253, %parallel_loop3A_254] {strides = array<i32>} : memref<128x128xf32, #tpu.memory_space<vmem>>, vector<16xf32>,
      %parallel_loop3A_256 = arith.mulf %parallel_loop3A_252, %parallel_loop3A_255 : vector<16xf32>
      %parallel_loop3A_257 = arith.index_cast %parallel_loop3A_166 : i32 to index
      %parallel_loop3A_258 = arith.constant 112 : index
      %parallel_loop3A_259 = tpu.vector_load %arg9[%parallel_loop3A_257, %parallel_loop3A_258] {strides = array<i32>} : memref<128x128xf32, #tpu.memory_space<vmem>>, vector<16xf32>,
      %parallel_loop3A_260 = arith.mulf %parallel_loop3A_256, %parallel_loop3A_259 : vector<16xf32>
      %parallel_loop3A_261 = arith.addf %parallel_loop3A_249, %parallel_loop3A_260 : vector<16xf32>
      %parallel_loop3A_262 = arith.constant 1 : i32
      %parallel_loop3A_263 = vector.broadcast %parallel_loop3A_262 : i32 to vector<16xi32>
      %parallel_loop3A_264 = arith.xori %iota3A, %parallel_loop3A_263 : vector<16xi32>
      %parallel_loop3A_265 = vector.shape_cast %parallel_loop3A_264 : vector<16xi32> to vector<16x1xi32>
      %parallel_loop3A_266 = vector.shape_cast %parallel_loop3A_265 : vector<16x1xi32> to vector<16xi32>
      %parallel_loop3A_267 = tpu.dynamic_gather %parallel_loop3A_261[%parallel_loop3A_266] in [0] : vector<16xf32>, vector<16xi32> -> vector<16xf32>
      %parallel_loop3A_268 = arith.addf %parallel_loop3A_261, %parallel_loop3A_267 : vector<16xf32>
      %parallel_loop3A_269 = arith.constant 2 : i32
      %parallel_loop3A_270 = vector.broadcast %parallel_loop3A_269 : i32 to vector<16xi32>
      %parallel_loop3A_271 = arith.xori %iota3A, %parallel_loop3A_270 : vector<16xi32>
      %parallel_loop3A_272 = vector.shape_cast %parallel_loop3A_271 : vector<16xi32> to vector<16x1xi32>
      %parallel_loop3A_273 = vector.shape_cast %parallel_loop3A_272 : vector<16x1xi32> to vector<16xi32>
      %parallel_loop3A_274 = tpu.dynamic_gather %parallel_loop3A_268[%parallel_loop3A_273] in [0] : vector<16xf32>, vector<16xi32> -> vector<16xf32>
      %parallel_loop3A_275 = arith.addf %parallel_loop3A_268, %parallel_loop3A_274 : vector<16xf32>
      %parallel_loop3A_276 = arith.constant 4 : i32
      %parallel_loop3A_277 = vector.broadcast %parallel_loop3A_276 : i32 to vector<16xi32>
      %parallel_loop3A_278 = arith.xori %iota3A, %parallel_loop3A_277 : vector<16xi32>
      %parallel_loop3A_279 = vector.shape_cast %parallel_loop3A_278 : vector<16xi32> to vector<16x1xi32>
      %parallel_loop3A_280 = vector.shape_cast %parallel_loop3A_279 : vector<16x1xi32> to vector<16xi32>
      %parallel_loop3A_281 = tpu.dynamic_gather %parallel_loop3A_275[%parallel_loop3A_280] in [0] : vector<16xf32>, vector<16xi32> -> vector<16xf32>
      %parallel_loop3A_282 = arith.addf %parallel_loop3A_275, %parallel_loop3A_281 : vector<16xf32>
      %parallel_loop3A_283 = arith.constant 8 : i32
      %parallel_loop3A_284 = vector.broadcast %parallel_loop3A_283 : i32 to vector<16xi32>
      %parallel_loop3A_285 = arith.xori %iota3A, %parallel_loop3A_284 : vector<16xi32>
      %parallel_loop3A_286 = vector.shape_cast %parallel_loop3A_285 : vector<16xi32> to vector<16x1xi32>
      %parallel_loop3A_287 = vector.shape_cast %parallel_loop3A_286 : vector<16x1xi32> to vector<16xi32>
      %parallel_loop3A_288 = tpu.dynamic_gather %parallel_loop3A_282[%parallel_loop3A_287] in [0] : vector<16xf32>, vector<16xi32> -> vector<16xf32>
      %parallel_loop3A_289 = arith.addf %parallel_loop3A_282, %parallel_loop3A_288 : vector<16xf32>
      %parallel_loop3A_290 = arith.constant 0 : i32
      %parallel_loop3A_291 = vector.broadcast %parallel_loop3A_290 : i32 to vector<16xi32>
      %parallel_loop3A_292 = arith.cmpi eq, %iota3A, %parallel_loop3A_291 : vector<16xi32>
      %parallel_loop3A_293 = arith.index_cast %parallel_loop3A_166 : i32 to index
      %parallel_loop3A_294 = tpu.vector_load %arg11[%parallel_loop3A_293] masked %parallel_loop3A_292 {strides = array<i32>} : memref<144xf32, #tpu.memory_space<vmem>>, vector<16xf32>, vector<16xi1>
      tpu.vector_store %arg11[%parallel_loop3A_293], %parallel_loop3A_289 masked %parallel_loop3A_292 {strides = array<i32>} : memref<144xf32, #tpu.memory_space<vmem>>, vector<16xf32>, vector<16xi1>
    } {sc.loop_unroll_factor = 2 : i64, sc.parallel_access}
    %add3A_118 = arith.constant 256 : i32
    %add3A_119 = arith.addi %mul3A_2, %add3A_118 : i32
    %dma_start3A_120 = arith.constant 0 : i32
    %dma_start3A_121 = tpu.memref_slice %arg11[%dma_start3A_120] : memref<144xf32, #tpu.memory_space<vmem>> -> memref<128xf32, #tpu.memory_space<vmem>>
    %dma_start3A_122 = tpu.memref_slice %arg6[%add3A_119] : memref<16384xf32, #tpu.memory_space<hbm>> -> memref<128xf32, #tpu.memory_space<hbm>>
    %dma_start3A_123 = tpu.memref_slice %arg6[%add3A_119] : memref<16384xf32, #tpu.memory_space<hbm>> -> memref<128xf32, #tpu.memory_space<hbm>>
    %dma_start3A_124 = arith.constant 0 : i32
    %dma_start3A_125 = tpu.memref_slice %arg11[%dma_start3A_124] : memref<144xf32, #tpu.memory_space<vmem>> -> memref<128xf32, #tpu.memory_space<vmem>>
    tpu.enqueue_dma source(%dma_start3A_125 : memref<128xf32, #tpu.memory_space<vmem>>) target(%dma_start3A_123 : memref<128xf32, #tpu.memory_space<hbm>>) target_semaphore(%arg15 : memref<!tpu.dma_semaphore, #tpu.memory_space<semaphore_mem>>)
    %dma_wait3A_126 = arith.constant 0 : i32
    %dma_wait3A_127 = arith.constant 0 : i32
    %dma_wait3A_128 = tpu.memref_slice %arg25[%dma_wait3A_126, %dma_wait3A_127] : memref<1000x128xf32, #tpu.memory_space<vmem_shared>> -> memref<1000x128xf32, #tpu.memory_space<vmem_shared>>
    tpu.wait_indirect_dma semaphore(%arg21 : memref<!tpu.dma_semaphore, #tpu.memory_space<semaphore_mem>>) src(%dma_wait3A_128 : memref<1000x128xf32, #tpu.memory_space<vmem_shared>>) dst(%arg19 : memref<128x128xf32, #tpu.memory_space<vmem>>)
    %dma_wait3A_129 = arith.constant 0 : i32
    %dma_wait3A_130 = tpu.memref_slice %arg2[%add3A_86, %dma_wait3A_129] : memref<16384x128xf32, #tpu.memory_space<hbm>> -> memref<128x128xf32, #tpu.memory_space<hbm>>
    %dma_wait3A_131 = arith.constant 0 : i32
    %dma_wait3A_132 = tpu.memref_slice %arg2[%add3A_86, %dma_wait3A_131] : memref<16384x128xf32, #tpu.memory_space<hbm>> -> memref<128x128xf32, #tpu.memory_space<hbm>>
    tpu.wait_dma2 semaphore(%arg22 : memref<!tpu.dma_semaphore, #tpu.memory_space<semaphore_mem>>) src(%dma_wait3A_132 : memref<128x128xf32, #tpu.memory_space<hbm>>) dst(%arg17 : memref<128x128xf32, #tpu.memory_space<vmem>>)
    %dma_wait3A_133 = arith.constant 0 : i32
    %dma_wait3A_134 = tpu.memref_slice %arg4[%add3A_86, %dma_wait3A_133] : memref<16384x128xf32, #tpu.memory_space<hbm>> -> memref<128x128xf32, #tpu.memory_space<hbm>>
    %dma_wait3A_135 = arith.constant 0 : i32
    %dma_wait3A_136 = tpu.memref_slice %arg4[%add3A_86, %dma_wait3A_135] : memref<16384x128xf32, #tpu.memory_space<hbm>> -> memref<128x128xf32, #tpu.memory_space<hbm>>
    tpu.wait_dma2 semaphore(%arg23 : memref<!tpu.dma_semaphore, #tpu.memory_space<semaphore_mem>>) src(%dma_wait3A_136 : memref<128x128xf32, #tpu.memory_space<hbm>>) dst(%arg18 : memref<128x128xf32, #tpu.memory_space<vmem>>)
    %dma_wait3A_137 = arith.constant 0 : i32
    %dma_wait3A_138 = tpu.memref_slice %arg20[%dma_wait3A_137] : memref<144xf32, #tpu.memory_space<vmem>> -> memref<128xf32, #tpu.memory_space<vmem>>
    %dma_wait3A_139 = tpu.memref_slice %arg6[%add3A_78] : memref<16384xf32, #tpu.memory_space<hbm>> -> memref<128xf32, #tpu.memory_space<hbm>>
    %dma_wait3A_140 = tpu.memref_slice %arg6[%add3A_78] : memref<16384xf32, #tpu.memory_space<hbm>> -> memref<128xf32, #tpu.memory_space<hbm>>
    %dma_wait3A_141 = arith.constant 0 : i32
    %dma_wait3A_142 = tpu.memref_slice %arg20[%dma_wait3A_141] : memref<144xf32, #tpu.memory_space<vmem>> -> memref<128xf32, #tpu.memory_space<vmem>>
    tpu.wait_dma2 semaphore(%arg24 : memref<!tpu.dma_semaphore, #tpu.memory_space<semaphore_mem>>) src(%dma_wait3A_142 : memref<128xf32, #tpu.memory_space<vmem>>) dst(%dma_wait3A_140 : memref<128xf32, #tpu.memory_space<hbm>>)
    %parallel_loop3A_143 = arith.constant 0 : i32
    %parallel_loop3A_144 = arith.constant 128 : i32
    %parallel_loop3A_145 = arith.constant 1 : i32
    scf.for %parallel_loop3A_166 = %parallel_loop3A_143 to %parallel_loop3A_144 step %parallel_loop3A_145  : i32 {
      %parallel_loop3A_167 = arith.index_cast %parallel_loop3A_166 : i32 to index
      %parallel_loop3A_168 = arith.constant 0 : index
      %parallel_loop3A_169 = tpu.vector_load %arg17[%parallel_loop3A_167, %parallel_loop3A_168] {strides = array<i32>} : memref<128x128xf32, #tpu.memory_space<vmem>>, vector<16xf32>,
      %parallel_loop3A_170 = arith.index_cast %parallel_loop3A_166 : i32 to index
      %parallel_loop3A_171 = arith.constant 0 : index
      %parallel_loop3A_172 = tpu.vector_load %arg19[%parallel_loop3A_170, %parallel_loop3A_171] {strides = array<i32>} : memref<128x128xf32, #tpu.memory_space<vmem>>, vector<16xf32>,
      %parallel_loop3A_173 = arith.mulf %parallel_loop3A_169, %parallel_loop3A_172 : vector<16xf32>
      %parallel_loop3A_174 = arith.index_cast %parallel_loop3A_166 : i32 to index
      %parallel_loop3A_175 = arith.constant 0 : index
      %parallel_loop3A_176 = tpu.vector_load %arg18[%parallel_loop3A_174, %parallel_loop3A_175] {strides = array<i32>} : memref<128x128xf32, #tpu.memory_space<vmem>>, vector<16xf32>,
      %parallel_loop3A_177 = arith.mulf %parallel_loop3A_173, %parallel_loop3A_176 : vector<16xf32>
      %parallel_loop3A_178 = arith.index_cast %parallel_loop3A_166 : i32 to index
      %parallel_loop3A_179 = arith.constant 16 : index
      %parallel_loop3A_180 = tpu.vector_load %arg17[%parallel_loop3A_178, %parallel_loop3A_179] {strides = array<i32>} : memref<128x128xf32, #tpu.memory_space<vmem>>, vector<16xf32>,
      %parallel_loop3A_181 = arith.index_cast %parallel_loop3A_166 : i32 to index
      %parallel_loop3A_182 = arith.constant 16 : index
      %parallel_loop3A_183 = tpu.vector_load %arg19[%parallel_loop3A_181, %parallel_loop3A_182] {strides = array<i32>} : memref<128x128xf32, #tpu.memory_space<vmem>>, vector<16xf32>,
      %parallel_loop3A_184 = arith.mulf %parallel_loop3A_180, %parallel_loop3A_183 : vector<16xf32>
      %parallel_loop3A_185 = arith.index_cast %parallel_loop3A_166 : i32 to index
      %parallel_loop3A_186 = arith.constant 16 : index
      %parallel_loop3A_187 = tpu.vector_load %arg18[%parallel_loop3A_185, %parallel_loop3A_186] {strides = array<i32>} : memref<128x128xf32, #tpu.memory_space<vmem>>, vector<16xf32>,
      %parallel_loop3A_188 = arith.mulf %parallel_loop3A_184, %parallel_loop3A_187 : vector<16xf32>
      %parallel_loop3A_189 = arith.addf %parallel_loop3A_177, %parallel_loop3A_188 : vector<16xf32>
      %parallel_loop3A_190 = arith.index_cast %parallel_loop3A_166 : i32 to index
      %parallel_loop3A_191 = arith.constant 32 : index
      %parallel_loop3A_192 = tpu.vector_load %arg17[%parallel_loop3A_190, %parallel_loop3A_191] {strides = array<i32>} : memref<128x128xf32, #tpu.memory_space<vmem>>, vector<16xf32>,
      %parallel_loop3A_193 = arith.index_cast %parallel_loop3A_166 : i32 to index
      %parallel_loop3A_194 = arith.constant 32 : index
      %parallel_loop3A_195 = tpu.vector_load %arg19[%parallel_loop3A_193, %parallel_loop3A_194] {strides = array<i32>} : memref<128x128xf32, #tpu.memory_space<vmem>>, vector<16xf32>,
      %parallel_loop3A_196 = arith.mulf %parallel_loop3A_192, %parallel_loop3A_195 : vector<16xf32>
      %parallel_loop3A_197 = arith.index_cast %parallel_loop3A_166 : i32 to index
      %parallel_loop3A_198 = arith.constant 32 : index
      %parallel_loop3A_199 = tpu.vector_load %arg18[%parallel_loop3A_197, %parallel_loop3A_198] {strides = array<i32>} : memref<128x128xf32, #tpu.memory_space<vmem>>, vector<16xf32>,
      %parallel_loop3A_200 = arith.mulf %parallel_loop3A_196, %parallel_loop3A_199 : vector<16xf32>
      %parallel_loop3A_201 = arith.addf %parallel_loop3A_189, %parallel_loop3A_200 : vector<16xf32>
      %parallel_loop3A_202 = arith.index_cast %parallel_loop3A_166 : i32 to index
      %parallel_loop3A_203 = arith.constant 48 : index
      %parallel_loop3A_204 = tpu.vector_load %arg17[%parallel_loop3A_202, %parallel_loop3A_203] {strides = array<i32>} : memref<128x128xf32, #tpu.memory_space<vmem>>, vector<16xf32>,
      %parallel_loop3A_205 = arith.index_cast %parallel_loop3A_166 : i32 to index
      %parallel_loop3A_206 = arith.constant 48 : index
      %parallel_loop3A_207 = tpu.vector_load %arg19[%parallel_loop3A_205, %parallel_loop3A_206] {strides = array<i32>} : memref<128x128xf32, #tpu.memory_space<vmem>>, vector<16xf32>,
      %parallel_loop3A_208 = arith.mulf %parallel_loop3A_204, %parallel_loop3A_207 : vector<16xf32>
      %parallel_loop3A_209 = arith.index_cast %parallel_loop3A_166 : i32 to index
      %parallel_loop3A_210 = arith.constant 48 : index
      %parallel_loop3A_211 = tpu.vector_load %arg18[%parallel_loop3A_209, %parallel_loop3A_210] {strides = array<i32>} : memref<128x128xf32, #tpu.memory_space<vmem>>, vector<16xf32>,
      %parallel_loop3A_212 = arith.mulf %parallel_loop3A_208, %parallel_loop3A_211 : vector<16xf32>
      %parallel_loop3A_213 = arith.addf %parallel_loop3A_201, %parallel_loop3A_212 : vector<16xf32>
      %parallel_loop3A_214 = arith.index_cast %parallel_loop3A_166 : i32 to index
      %parallel_loop3A_215 = arith.constant 64 : index
      %parallel_loop3A_216 = tpu.vector_load %arg17[%parallel_loop3A_214, %parallel_loop3A_215] {strides = array<i32>} : memref<128x128xf32, #tpu.memory_space<vmem>>, vector<16xf32>,
      %parallel_loop3A_217 = arith.index_cast %parallel_loop3A_166 : i32 to index
      %parallel_loop3A_218 = arith.constant 64 : index
      %parallel_loop3A_219 = tpu.vector_load %arg19[%parallel_loop3A_217, %parallel_loop3A_218] {strides = array<i32>} : memref<128x128xf32, #tpu.memory_space<vmem>>, vector<16xf32>,
      %parallel_loop3A_220 = arith.mulf %parallel_loop3A_216, %parallel_loop3A_219 : vector<16xf32>
      %parallel_loop3A_221 = arith.index_cast %parallel_loop3A_166 : i32 to index
      %parallel_loop3A_222 = arith.constant 64 : index
      %parallel_loop3A_223 = tpu.vector_load %arg18[%parallel_loop3A_221, %parallel_loop3A_222] {strides = array<i32>} : memref<128x128xf32, #tpu.memory_space<vmem>>, vector<16xf32>,
      %parallel_loop3A_224 = arith.mulf %parallel_loop3A_220, %parallel_loop3A_223 : vector<16xf32>
      %parallel_loop3A_225 = arith.addf %parallel_loop3A_213, %parallel_loop3A_224 : vector<16xf32>
      %parallel_loop3A_226 = arith.index_cast %parallel_loop3A_166 : i32 to index
      %parallel_loop3A_227 = arith.constant 80 : index
      %parallel_loop3A_228 = tpu.vector_load %arg17[%parallel_loop3A_226, %parallel_loop3A_227] {strides = array<i32>} : memref<128x128xf32, #tpu.memory_space<vmem>>, vector<16xf32>,
      %parallel_loop3A_229 = arith.index_cast %parallel_loop3A_166 : i32 to index
      %parallel_loop3A_230 = arith.constant 80 : index
      %parallel_loop3A_231 = tpu.vector_load %arg19[%parallel_loop3A_229, %parallel_loop3A_230] {strides = array<i32>} : memref<128x128xf32, #tpu.memory_space<vmem>>, vector<16xf32>,
      %parallel_loop3A_232 = arith.mulf %parallel_loop3A_228, %parallel_loop3A_231 : vector<16xf32>
      %parallel_loop3A_233 = arith.index_cast %parallel_loop3A_166 : i32 to index
      %parallel_loop3A_234 = arith.constant 80 : index
      %parallel_loop3A_235 = tpu.vector_load %arg18[%parallel_loop3A_233, %parallel_loop3A_234] {strides = array<i32>} : memref<128x128xf32, #tpu.memory_space<vmem>>, vector<16xf32>,
      %parallel_loop3A_236 = arith.mulf %parallel_loop3A_232, %parallel_loop3A_235 : vector<16xf32>
      %parallel_loop3A_237 = arith.addf %parallel_loop3A_225, %parallel_loop3A_236 : vector<16xf32>
      %parallel_loop3A_238 = arith.index_cast %parallel_loop3A_166 : i32 to index
      %parallel_loop3A_239 = arith.constant 96 : index
      %parallel_loop3A_240 = tpu.vector_load %arg17[%parallel_loop3A_238, %parallel_loop3A_239] {strides = array<i32>} : memref<128x128xf32, #tpu.memory_space<vmem>>, vector<16xf32>,
      %parallel_loop3A_241 = arith.index_cast %parallel_loop3A_166 : i32 to index
      %parallel_loop3A_242 = arith.constant 96 : index
      %parallel_loop3A_243 = tpu.vector_load %arg19[%parallel_loop3A_241, %parallel_loop3A_242] {strides = array<i32>} : memref<128x128xf32, #tpu.memory_space<vmem>>, vector<16xf32>,
      %parallel_loop3A_244 = arith.mulf %parallel_loop3A_240, %parallel_loop3A_243 : vector<16xf32>
      %parallel_loop3A_245 = arith.index_cast %parallel_loop3A_166 : i32 to index
      %parallel_loop3A_246 = arith.constant 96 : index
      %parallel_loop3A_247 = tpu.vector_load %arg18[%parallel_loop3A_245, %parallel_loop3A_246] {strides = array<i32>} : memref<128x128xf32, #tpu.memory_space<vmem>>, vector<16xf32>,
      %parallel_loop3A_248 = arith.mulf %parallel_loop3A_244, %parallel_loop3A_247 : vector<16xf32>
      %parallel_loop3A_249 = arith.addf %parallel_loop3A_237, %parallel_loop3A_248 : vector<16xf32>
      %parallel_loop3A_250 = arith.index_cast %parallel_loop3A_166 : i32 to index
      %parallel_loop3A_251 = arith.constant 112 : index
      %parallel_loop3A_252 = tpu.vector_load %arg17[%parallel_loop3A_250, %parallel_loop3A_251] {strides = array<i32>} : memref<128x128xf32, #tpu.memory_space<vmem>>, vector<16xf32>,
      %parallel_loop3A_253 = arith.index_cast %parallel_loop3A_166 : i32 to index
      %parallel_loop3A_254 = arith.constant 112 : index
      %parallel_loop3A_255 = tpu.vector_load %arg19[%parallel_loop3A_253, %parallel_loop3A_254] {strides = array<i32>} : memref<128x128xf32, #tpu.memory_space<vmem>>, vector<16xf32>,
      %parallel_loop3A_256 = arith.mulf %parallel_loop3A_252, %parallel_loop3A_255 : vector<16xf32>
      %parallel_loop3A_257 = arith.index_cast %parallel_loop3A_166 : i32 to index
      %parallel_loop3A_258 = arith.constant 112 : index
      %parallel_loop3A_259 = tpu.vector_load %arg18[%parallel_loop3A_257, %parallel_loop3A_258] {strides = array<i32>} : memref<128x128xf32, #tpu.memory_space<vmem>>, vector<16xf32>,
      %parallel_loop3A_260 = arith.mulf %parallel_loop3A_256, %parallel_loop3A_259 : vector<16xf32>
      %parallel_loop3A_261 = arith.addf %parallel_loop3A_249, %parallel_loop3A_260 : vector<16xf32>
      %parallel_loop3A_262 = arith.constant 1 : i32
      %parallel_loop3A_263 = vector.broadcast %parallel_loop3A_262 : i32 to vector<16xi32>
      %parallel_loop3A_264 = arith.xori %iota3A, %parallel_loop3A_263 : vector<16xi32>
      %parallel_loop3A_265 = vector.shape_cast %parallel_loop3A_264 : vector<16xi32> to vector<16x1xi32>
      %parallel_loop3A_266 = vector.shape_cast %parallel_loop3A_265 : vector<16x1xi32> to vector<16xi32>
      %parallel_loop3A_267 = tpu.dynamic_gather %parallel_loop3A_261[%parallel_loop3A_266] in [0] : vector<16xf32>, vector<16xi32> -> vector<16xf32>
      %parallel_loop3A_268 = arith.addf %parallel_loop3A_261, %parallel_loop3A_267 : vector<16xf32>
      %parallel_loop3A_269 = arith.constant 2 : i32
      %parallel_loop3A_270 = vector.broadcast %parallel_loop3A_269 : i32 to vector<16xi32>
      %parallel_loop3A_271 = arith.xori %iota3A, %parallel_loop3A_270 : vector<16xi32>
      %parallel_loop3A_272 = vector.shape_cast %parallel_loop3A_271 : vector<16xi32> to vector<16x1xi32>
      %parallel_loop3A_273 = vector.shape_cast %parallel_loop3A_272 : vector<16x1xi32> to vector<16xi32>
      %parallel_loop3A_274 = tpu.dynamic_gather %parallel_loop3A_268[%parallel_loop3A_273] in [0] : vector<16xf32>, vector<16xi32> -> vector<16xf32>
      %parallel_loop3A_275 = arith.addf %parallel_loop3A_268, %parallel_loop3A_274 : vector<16xf32>
      %parallel_loop3A_276 = arith.constant 4 : i32
      %parallel_loop3A_277 = vector.broadcast %parallel_loop3A_276 : i32 to vector<16xi32>
      %parallel_loop3A_278 = arith.xori %iota3A, %parallel_loop3A_277 : vector<16xi32>
      %parallel_loop3A_279 = vector.shape_cast %parallel_loop3A_278 : vector<16xi32> to vector<16x1xi32>
      %parallel_loop3A_280 = vector.shape_cast %parallel_loop3A_279 : vector<16x1xi32> to vector<16xi32>
      %parallel_loop3A_281 = tpu.dynamic_gather %parallel_loop3A_275[%parallel_loop3A_280] in [0] : vector<16xf32>, vector<16xi32> -> vector<16xf32>
      %parallel_loop3A_282 = arith.addf %parallel_loop3A_275, %parallel_loop3A_281 : vector<16xf32>
      %parallel_loop3A_283 = arith.constant 8 : i32
      %parallel_loop3A_284 = vector.broadcast %parallel_loop3A_283 : i32 to vector<16xi32>
      %parallel_loop3A_285 = arith.xori %iota3A, %parallel_loop3A_284 : vector<16xi32>
      %parallel_loop3A_286 = vector.shape_cast %parallel_loop3A_285 : vector<16xi32> to vector<16x1xi32>
      %parallel_loop3A_287 = vector.shape_cast %parallel_loop3A_286 : vector<16x1xi32> to vector<16xi32>
      %parallel_loop3A_288 = tpu.dynamic_gather %parallel_loop3A_282[%parallel_loop3A_287] in [0] : vector<16xf32>, vector<16xi32> -> vector<16xf32>
      %parallel_loop3A_289 = arith.addf %parallel_loop3A_282, %parallel_loop3A_288 : vector<16xf32>
      %parallel_loop3A_290 = arith.constant 0 : i32
      %parallel_loop3A_291 = vector.broadcast %parallel_loop3A_290 : i32 to vector<16xi32>
      %parallel_loop3A_292 = arith.cmpi eq, %iota3A, %parallel_loop3A_291 : vector<16xi32>
      %parallel_loop3A_293 = arith.index_cast %parallel_loop3A_166 : i32 to index
      %parallel_loop3A_294 = tpu.vector_load %arg20[%parallel_loop3A_293] masked %parallel_loop3A_292 {strides = array<i32>} : memref<144xf32, #tpu.memory_space<vmem>>, vector<16xf32>, vector<16xi1>
      tpu.vector_store %arg20[%parallel_loop3A_293], %parallel_loop3A_289 masked %parallel_loop3A_292 {strides = array<i32>} : memref<144xf32, #tpu.memory_space<vmem>>, vector<16xf32>, vector<16xi1>
    } {sc.loop_unroll_factor = 2 : i64, sc.parallel_access}
    %add3A_146 = arith.constant 384 : i32
    %add3A_147 = arith.addi %mul3A_2, %add3A_146 : i32
    %dma_start3A_148 = arith.constant 0 : i32
    %dma_start3A_149 = tpu.memref_slice %arg20[%dma_start3A_148] : memref<144xf32, #tpu.memory_space<vmem>> -> memref<128xf32, #tpu.memory_space<vmem>>
    %dma_start3A_150 = tpu.memref_slice %arg6[%add3A_147] : memref<16384xf32, #tpu.memory_space<hbm>> -> memref<128xf32, #tpu.memory_space<hbm>>
    %dma_start3A_151 = tpu.memref_slice %arg6[%add3A_147] : memref<16384xf32, #tpu.memory_space<hbm>> -> memref<128xf32, #tpu.memory_space<hbm>>
    %dma_start3A_152 = arith.constant 0 : i32
    %dma_start3A_153 = tpu.memref_slice %arg20[%dma_start3A_152] : memref<144xf32, #tpu.memory_space<vmem>> -> memref<128xf32, #tpu.memory_space<vmem>>
    tpu.enqueue_dma source(%dma_start3A_153 : memref<128xf32, #tpu.memory_space<vmem>>) target(%dma_start3A_151 : memref<128xf32, #tpu.memory_space<hbm>>) target_semaphore(%arg24 : memref<!tpu.dma_semaphore, #tpu.memory_space<semaphore_mem>>)
    %dma_wait3A_154 = arith.constant 0 : i32
    %dma_wait3A_155 = tpu.memref_slice %arg11[%dma_wait3A_154] : memref<144xf32, #tpu.memory_space<vmem>> -> memref<128xf32, #tpu.memory_space<vmem>>
    %dma_wait3A_156 = tpu.memref_slice %arg6[%add3A_119] : memref<16384xf32, #tpu.memory_space<hbm>> -> memref<128xf32, #tpu.memory_space<hbm>>
    %dma_wait3A_157 = tpu.memref_slice %arg6[%add3A_119] : memref<16384xf32, #tpu.memory_space<hbm>> -> memref<128xf32, #tpu.memory_space<hbm>>
    %dma_wait3A_158 = arith.constant 0 : i32
    %dma_wait3A_159 = tpu.memref_slice %arg11[%dma_wait3A_158] : memref<144xf32, #tpu.memory_space<vmem>> -> memref<128xf32, #tpu.memory_space<vmem>>
    tpu.wait_dma2 semaphore(%arg15 : memref<!tpu.dma_semaphore, #tpu.memory_space<semaphore_mem>>) src(%dma_wait3A_159 : memref<128xf32, #tpu.memory_space<vmem>>) dst(%dma_wait3A_157 : memref<128xf32, #tpu.memory_space<hbm>>)
    %dma_wait3A_160 = arith.constant 0 : i32
    %dma_wait3A_161 = tpu.memref_slice %arg20[%dma_wait3A_160] : memref<144xf32, #tpu.memory_space<vmem>> -> memref<128xf32, #tpu.memory_space<vmem>>
    %dma_wait3A_162 = tpu.memref_slice %arg6[%add3A_147] : memref<16384xf32, #tpu.memory_space<hbm>> -> memref<128xf32, #tpu.memory_space<hbm>>
    %dma_wait3A_163 = tpu.memref_slice %arg6[%add3A_147] : memref<16384xf32, #tpu.memory_space<hbm>> -> memref<128xf32, #tpu.memory_space<hbm>>
    %dma_wait3A_164 = arith.constant 0 : i32
    %dma_wait3A_165 = tpu.memref_slice %arg20[%dma_wait3A_164] : memref<144xf32, #tpu.memory_space<vmem>> -> memref<128xf32, #tpu.memory_space<vmem>>
    tpu.wait_dma2 semaphore(%arg24 : memref<!tpu.dma_semaphore, #tpu.memory_space<semaphore_mem>>) src(%dma_wait3A_165 : memref<128xf32, #tpu.memory_space<vmem>>) dst(%dma_wait3A_163 : memref<128xf32, #tpu.memory_space<hbm>>)
    return
  }
}

</mosaic_0001>

<sc_bundles>
// kernel: kernel.3.cloned.1.call-start
scs
__scs_entry_jumppad:
0x0: {  	(pc) =	sbr.rel $0x88, $3  }
0x1: {  	(tag) =	ssettag $0x0;
	lr =	simm.s32 $0x1  }
0x2: {  	[smem:$0x3F9D] =	sst lr;
	_ =	strace $0xD0000000  }
0x3: {  	_ = 	snop  }
0x4: {  	_ = 	snop  }
0x5: {  	_ = 	snop  }
0x6: {  	_ = 	snop  }
0x7: {  	_ = 	snop  }
__scs_overlays_trampoline_lowered:
0x8: {  	[smem:$0x3FAC] =	sst s0  }
0x9: {  	[smem:$0x3FAD] =	sst s1  }
0xa: {  	[smem:$0x3FAE] =	sst s2  }
0xb: {  	[smem:$0x3FAF] =	sst s3  }
0xc: {  	[smem:$0x3FB0] =	sst s4  }
0xd: {  	[smem:$0x3FB1] =	sst s5  }
0xe: {  	[smem:$0x3FB2] =	sst s6  }
0xf: {  	[smem:$0x3FB3] =	sst s7  }
0x10: {  	[smem:$0x3FB4] =	sst s8  }
0x11: {  	[smem:$0x3FB5] =	sst s9;
	s0 =	simm.s32 @!p0 $0x0  }
0x12: {  	s1 =	sld [smem:$0x3F9B];
	s0 =	simm.s32 @p0 $0x1  }
0x13: {  	[smem:$0x3FB6] =	sst s0;
	s0 =	simm.s32 @!p1 $0x0  }
0x14: {  	s2 =	sld [smem:$0x3F9A];
	s0 =	simm.s32 @p1 $0x1  }
0x15: {  	[smem:$0x3FB7] =	sst s0;
	s0 =	simm.s32 @!p2 $0x0  }
0x16: {  	s3 =	sld [smem:$0x3FDB];
	s0 =	simm.s32 @p2 $0x1  }
0x17: {  	s4 =	simm.s32 $0x1BF5;
	[smem:$0x3FB9] =	sst s0  }
0x18: {  	s0 =	sld [smem:$0x3F9C];
	_ =	swait.ge [sflag:s4], $0x0  }
0x19: {  	s7 =	sld [smem:$0x3F9D]  }
0x1a: {  	s8 =	sadd.s32 $0xFFFFE003, lr  }
0x1b: {  	s9 =	sadd.s32 $0xFFFFFEF7, lr;
	s5 =	simm.s32 $0xFFFFFFFF;
	p2 =	slt.u32 s8, $0xFFFFF086  }
0x1c: {  	p1 =	slt.u32 s9, $0xF7A;
	s5 =	simm.s32 @!p2 $0x0  }
0x1d: {  	s5 =	simm.s32 @p1 $0x1;
	p0 =	seq.s32 s7, s2  }
0x1e: {  	s7 =	smul.u32 @!p0 $0xF7A, s2;
	p2 =	seq.s32 @!p0 s5, $0x0  }
0x1f: {  	s9 =	smul.u32 $0xF7A, s1;
	s8 =	simm.s32 @!p0 $0x1BF5;
	p2 =	por !p2, p0  }
0x20: {  	[sflag:s8] =	ssyncset.s32 @!p0 $0xFFFFF086;
	s6 =	sadd.s32 @!p0 s3, s7;
	s7 =	simm.s32 @!p0 $0x108  }
0x21: {  	s3 =	sadd.s32 s3, s9;
	s6 =	sadd.s32 @!p0 $0x88, s6;
	s7 =	simm.s32 @p2 $0x1082  }
0x22: {  	[simem:s7], [sflag:s8] =	dma.local @!p0 [hbm:s6], $0xF7A  }
0x23: {  	s9 =	sor.u32 $0xD0000000, s2;
	s6 =	simm.s32 $0x108;
	_ =	swait.ge @!p0 [sflag:s8], $0x0  }
0x24: {  	s3 =	sadd.s32 $0x88, s3;
	s6 =	simm.s32 @!p1 $0x1082;
	[sflag:s4] =	ssyncset.s32 $0xFFFFF086  }
0x25: {  	[simem:s6], [sflag:s4] =	dma.local [hbm:s3], $0xF7A  }
0x26: {  	[smem:$0x3F9D] =	sst s1;
	(tag) =	ssettag s2;
	_ =	strace s9  }
0x27: {  	s1 =	sld [smem:$0x3FAD]  }
0x28: {  	s2 =	sld [smem:$0x3FAE]  }
0x29: {  	s4 =	sld [smem:$0x3FB0]  }
0x2a: {  	p0 =	seq.s32 s5, $0x0;
	s5 =	sld [smem:$0x3FB1]  }
0x2b: {  	s6 =	sld [smem:$0x3FB2]  }
0x2c: {  	s7 =	sld [smem:$0x3FB3]  }
0x2d: {  	s3 =	simm.s32 $0x108;
	s8 =	sld [smem:$0x3FB4]  }
0x2e: {  	s3 =	simm.s32 @!p0 $0x1082;
	s9 =	sld [smem:$0x3FB5]  }
0x2f: {  	lr =	sadd.s32 s0, s3;
	s0 =	sld [smem:$0x3FAC]  }
0x30: {  	s3 =	sld [smem:$0x3FAF]  }
0x31: {  	[smem:$0x3FB8] =	sst s10  }
0x32: {  	s10 =	sld [smem:$0x3FB6];
	_ =	sdelay $0x3  }
0x33: {  	p0 =	seq.s32 s10, $0x1;
	s10 =	sld [smem:$0x3FB8];
	_ =	sdelay $0x3  }
0x34: {  	[smem:$0x3FB8] =	sst s10  }
0x35: {  	s10 =	sld [smem:$0x3FB7];
	_ =	sdelay $0x3  }
0x36: {  	p1 =	seq.s32 s10, $0x1;
	s10 =	sld [smem:$0x3FB8];
	_ =	sdelay $0x3  }
0x37: {  	[smem:$0x3FB8] =	sst s10  }
0x38: {  	s10 =	sld [smem:$0x3FB9]  }
0x39: {  	_ = 	snop;
	(pc) =	sbr.ind lr, $3  }
0x3a: {  	_ = 	snop  }
0x3b: {  	_ = 	snop  }
0x3c: {  	p2 =	seq.s32 s10, $0x1;
	s10 =	sld [smem:$0x3FB8]  }
0x3d: {  	_ =	shalt  }
0x3e: {  	_ =	shalt  }
0x3f: {  	_ =	shalt  }
0x40: {  	_ =	shalt  }
0x41: {  	_ =	shalt  }
0x42: {  	_ =	shalt  }
0x43: {  	_ =	shalt  }
0x44: {  	_ =	shalt  }
0x45: {  	_ =	shalt  }
0x46: {  	_ =	shalt  }
0x47: {  	_ =	shalt  }
0x48: {  	_ =	shalt  }
0x49: {  	_ =	shalt  }
0x4a: {  	_ =	shalt  }
0x4b: {  	_ =	shalt  }
0x4c: {  	_ =	shalt  }
0x4d: {  	_ =	shalt  }
0x4e: {  	_ =	shalt  }
0x4f: {  	_ =	shalt  }
0x50: {  	_ =	shalt  }
0x51: {  	_ =	shalt  }
0x52: {  	_ =	shalt  }
0x53: {  	_ =	shalt  }
0x54: {  	_ =	shalt  }
0x55: {  	_ =	shalt  }
0x56: {  	_ =	shalt  }
0x57: {  	_ =	shalt  }
0x58: {  	_ =	shalt  }
0x59: {  	_ =	shalt  }
0x5a: {  	_ =	shalt  }
0x5b: {  	_ =	shalt  }
0x5c: {  	_ =	shalt  }
0x5d: {  	_ =	shalt  }
0x5e: {  	_ =	shalt  }
0x5f: {  	_ =	shalt  }
0x60: {  	_ =	shalt  }
0x61: {  	_ =	shalt  }
0x62: {  	_ =	shalt  }
0x63: {  	_ =	shalt  }
0x64: {  	_ =	shalt  }
0x65: {  	_ =	shalt  }
0x66: {  	_ =	shalt  }
0x67: {  	_ =	shalt  }
0x68: {  	_ =	shalt  }
0x69: {  	_ =	shalt  }
0x6a: {  	_ =	shalt  }
0x6b: {  	_ =	shalt  }
0x6c: {  	_ =	shalt  }
0x6d: {  	_ =	shalt  }
0x6e: {  	_ =	shalt  }
0x6f: {  	_ =	shalt  }
0x70: {  	_ =	shalt  }
0x71: {  	_ =	shalt  }
0x72: {  	_ =	shalt  }
0x73: {  	_ =	shalt  }
0x74: {  	_ =	shalt  }
0x75: {  	_ =	shalt  }
0x76: {  	_ =	shalt  }
0x77: {  	_ =	shalt  }
0x78: {  	_ =	shalt  }
0x79: {  	_ =	shalt  }
0x7a: {  	_ =	shalt  }
0x7b: {  	_ =	shalt  }
0x7c: {  	_ =	shalt  }
0x7d: {  	_ =	shalt  }
0x7e: {  	_ =	shalt  }
0x7f: {  	_ =	shalt  }
0x80: {  	_ =	shalt  }
0x81: {  	_ =	shalt  }
0x82: {  	_ =	shalt  }
0x83: {  	_ =	shalt  }
0x84: {  	_ =	shalt  }
0x85: {  	_ =	shalt  }
0x86: {  	_ =	shalt  }
0x87: {  	_ =	shalt  }
.Lfunc_end0:
.L_simem_size_0:
called_computation_lowered:
.L_overlay_start_0:
0x88: {  	s2 =	sld [smem:$0x3FD9]  }
0x89: {  	s3 =	sld [smem:$0x3FFE];
	_ =	sdelay $0x1  }
0x8a: {  	s1 =	srdreg.scid  }
0x8b: {  	s0 =	sand.u32 $0x1, s1  }
0x8c: {  	s18 =	sshll.u32 s0, $0xA;
	s2 =	sadd.s32 s3, s2  }
0x8d: {  	s2 =	sadd.s32 s2, s18  }
0x8e: {  	[smem:$0x3FC4] =	sst s2  }
0x8f: {  	_ = 	snop  }
0x90: {  	s2 =	sld [smem:$0x3FC9]  }
0x91: {  	s19 =	sld [smem:$0x3FC8]  }
0x92: {  	s4 =	sld [smem:$0x3FC7]  }
0x93: {  	s5 =	sld [smem:$0x3FC6]  }
0x94: {  	s6 =	sld [smem:$0x3FD0];
	(tm) =	ssettm $0x1  }
0x95: {  	s7 =	sld [smem:$0x3FFB];
	_ =	sdelay $0x3  }
0x96: {  	_ =	strace s7  }
0x97: {  	s7 =	sld [smem:$0x3FFC];
	_ =	sdelay $0x3  }
0x98: {  	_ =	strace s7  }
0x99: {  	s7 =	sld [smem:$0x3FFD];
	_ =	sdelay $0x3  }
0x9a: {  	_ =	strace s7  }
0x9b: {  	_ =	strace $0x8FFFFFFF  }
0x9c: {  	s20 =	sld [smem:$0x3FDB];
	_ =	sdelay $0x1  }
0x9d: {  	s8 =	simm.s32 $_scs_section_size  }
0x9e: {  	s9 =	simm.s32 $_size__tile_overlayer_lowered;
	s10 =	simm.s32 $_tile_overlayer_lowered  }
0x9f: {  	s23 =	simm.s32 $0x1BFF;
	s22 =	sshll.u32 s10, $0x1;
	s7 =	sadd.s32 s8, s20  }
0xa0: {  	s11 =	simm.s32 $0x0;
	s21 =	sshll.u32 s9, $0x1;
	s9 =	sadd.s32 s22, s7  }
0xa1: {  	[timem:s11], [sflag:s23] =	dma.local [hbm:s9], s21  }
0xa2: {  	_ =	swait.ge [sflag:s23], s21  }
0xa3: {  	s8 =	ssub.s32 $0x0, s21;
	[sflag:s23] =	ssyncset.done $0x0  }
0xa4: {  	[sflag:s23] =	ssyncadd.s32 s8;
	_ =	sdelay $0x1  }
0xa5: {  	s24 =	simm.s32 $0x1B8B  }
0xa6: {  	_ =	swait.ge [sflag:s24], $0x1  }
0xa7: {  	[sflag:s24] =	ssyncset.done $0x0  }
0xa8: {  	s25 =	simm.s32 $0x1B8E;
	[sflag:s24] =	ssyncadd.s32 $0xFFFFFFFF  }
0xa9: {  	s26 =	simm.s32 $execute0_lowered;
	[smem:$0x3FD2] =	sst s25  }
0xaa: {  	s8 =	sshll.u32 s26, $0x1;
	_ =	strace $0x80000046;
	[dreg:$0x1] =	wrdreg $0xFFFFFFFF  }
0xab: {  	s28 =	simm.s32 $_size_execute0_lowered;
	s7 =	sadd.s32 s7, s8;
	[dreg:$0x0] =	wrdreg $0x0  }
0xac: {  	s8 =	sshll.u32 s28, $0x1;
	[dreg:$0x2] =	wrdreg s7  }
0xad: {  	[dreg:$0x3] =	wrdreg s8  }
0xae: {  	[dreg:$0x4] =	wrdreg $0xC0  }
0xaf: {  	_ =	task [dreg:s11], $0x5FFFF  }
0xb0: {  	[dreg:$0x1] =	wrdreg $0xFFFFFFFF  }
0xb1: {  	[dreg:$0x0] =	wrdreg $0x60  }
0xb2: {  	[dreg:$0x2] =	wrdreg s2  }
0xb3: {  	[dreg:$0x3] =	wrdreg s19  }
0xb4: {  	[dreg:$0x4] =	wrdreg s4  }
0xb5: {  	[dreg:$0x5] =	wrdreg s5  }
0xb6: {  	[dreg:$0x6] =	wrdreg s6  }
0xb7: {  	[dreg:$0x7] =	wrdreg $0x183000  }
0xb8: {  	[dreg:$0x8] =	wrdreg $0x9  }
0xb9: {  	_ =	task.clear_ibuf [dreg:s11], $0x9FFFF;
	_ =	strace $0x90000046  }
0xba: {  	s29 =	simm.s32 $0x9;
	_ =	strace $0x80000048  }
0xbb: {  	_ =	swait.ge [sflag:s29], $0x1  }
0xbc: {  	[sflag:s29] =	ssyncadd.s32 $0xFFFFFFFF  }
0xbd: {  	_ =	strace $0x90000048  }
0xbe: {  	_ =	sfence  }
0xbf: {  	s30 =	sld [smem:$0x0];
	_ =	sdelay $0x2  }
0xc0: {  	s31 =	sshll.u32 s1, $0xD;
	s1 =	sshrl.u32 s1, $0x2  }
0xc1: {  	s3 =	sand.u32 $0x4000, s31;
	s1 =	sadd.s32 s1, s30  }
0xc2: {  	s0 =	sor.u32 s3, s0;
	s1 =	sshll.u32 s1, $0x11  }
0xc3: {  	s0 =	sor.u32 s1, s0  }
0xc4: {  	s0 =	sadd.s32 $0x8F2B, s0  }
0xc5: {  	[sflag:s0] =	ssyncadd.remote.s32 $0x1  }
0xc6: {  	_ =	sfence.sel $0xFFFF  }
0xc7: {  	[dreg:$0x0] =	wrdreg $0xFFFFFFFF;
	(pc) =	sbr.abs _section_cstart, $3  }
0xc8: {  	[dreg:$0x1] =	wrdreg $0xFFFFFFFF  }
0xc9: {  	_ =	task.clear_ibuf [dreg:s11], $0x2FFFF;
	_ =	strace $0x9FFFFFFF  }
0xca: {  	(tm) =	ssettm $0x7FFFFFFF  }
0xcb: {  	_ =	shalt  }
tec
execute0_lowered:
.L_overlay_start_1:
0x0: {  	(tag) =	ssettag $0x1  }
0x1: {  	s0 =	rddreg [dreg:$0x0]  }
0x2: {  	s1 =	rddreg [dreg:$0x1]  }
0x3: {  	s4 =	rddreg [dreg:$0x2]  }
0x4: {  	s5 =	rddreg [dreg:$0x4]  }
0x5: {  	s2 =	rddreg [dreg:$0x5]  }
0x6: {  	s6 =	srdreg.scid;
	s3 =	simm.s32 $0x0;
	s7 =	stileid.u32  }
0x7: {  	s29 =	simm.s32 $0x10200;
	s30 =	simm.s32 $0x1;
	s31 =	simm.s32 $0x2  }
0x8: {  	s6 =	sand.u32 $0x1, s6;
	[smem:$0x7FF] =	sst s3;
	s10 =	sshll.u32 s7, $0xA  }
0x9: {  	p0 =	sne.s32 s7, $0x0;
	s8 =	ssub.s32 $0x2, s6;
	s6 =	sshll.u32 s6, $0x9  }
0xa: {  	s7 =	simm.s32 $0x18200;
	s9 =	sshrl.u32 s8, $0x1;
	s6 =	sor.u32 s6, s10  }
0xb: {  	_ =	strace $0x80000047;
	s8 =	ssub.s32 s8, s9;
	s17 =	sshrl.u32 s6, $0x3  }
0xc: {  	s10 =	sshll.u32 s6, $0x4;
	s11 =	sor.u32 $0x80, s6;
	s22 =	sor.u32 $0x100, s6  }
0xd: {  	s6 =	sor.u32 $0x180, s6;
	s12 =	sadd.s32 s1, s17;
	s18 =	sadd.s32 s0, s10  }
0xe: {  	s19 =	sshrl.u32 s11, $0x3;
	s10 =	sadd.s32 s4, s10;
	[dreg:$0x7] =	wrdreg s12  }
0xf: {  	s21 =	sshll.u32 s11, $0x4;
	s9 =	sadd.s32 s5, s17;
	[dreg:$0x8] =	wrdreg s18  }
0x10: {  	s23 =	sshrl.u32 s22, $0x3;
	s26 =	sshrl.u32 s6, $0x3;
	[dreg:$0x9] =	wrdreg s10  }
0x11: {  	v0 =	vimm.s32 $0xEFCDAB89;
	s6 =	sshll.u32 s6, $0x4;
	s20 =	sadd.s32 s1, s19;
	[dreg:$0xd] =	wrdreg s9  }
0x12: {  	v1 =	vimm.s32 $0x67452301;
	v2 =	vimm.s32 $0xDCFE98BA;
	v3 =	vimm.s32 $0x54761032;
	s11 =	sadd.s32 s0, s21;
	s10 =	sadd.s32 s4, s21;
	[dreg:$0xa] =	wrdreg s20  }
0x13: {  	v4 =	vimm.s32 $0xBA98FEDC;
	v5 =	vimm.s32 $0x32107654;
	v6 =	vimm.s32 $0xFEDCBA98;
	s24 =	sadd.s32 s1, s23;
	s28 =	sadd.s32 s5, s19;
	[dreg:$0xb] =	wrdreg s11  }
0x14: {  	v7 =	vimm.s32 $0x76543210;
	v0 =	vunpack.c.l.s4.s8 v0;
	v1 =	vunpack.c.l.s4.s8 v1;
	s1 =	sadd.s32 s1, s26;
	s17 =	sadd.s32 s4, s6;
	[dreg:$0xc] =	wrdreg s10  }
0x15: {  	v2 =	vunpack.c.l.s4.s8 v2;
	v3 =	vunpack.c.l.s4.s8 v3;
	v4 =	vunpack.c.l.s4.s8 v4;
	s18 =	sadd.s32 s5, s23;
	s19 =	sadd.s32 s5, s26;
	[dreg:$0xe] =	wrdreg s24  }
0x16: {  	v5 =	vunpack.c.l.s4.s8 v5;
	v6 =	vunpack.c.l.s4.s8 v6;
	v7 =	vunpack.c.l.s4.s8 v7;
	s21 =	simm.s32 $0x9;
	s5 =	simm.s32 $0x6;
	[dreg:$0x11] =	wrdreg s28  }
0x17: {  	v0 =	vunpack.c.0.s8.s32 v0;
	v1 =	vunpack.c.0.s8.s32 v1;
	v2 =	vunpack.c.0.s8.s32 v2;
	s9 =	simm.s32 $0x8;
	s10 =	sshll.u32 s22, $0x4;
	[dreg:$0x12] =	wrdreg s1  }
0x18: {  	v3 =	vunpack.c.0.s8.s32 v3;
	v4 =	vunpack.c.0.s8.s32 v4;
	v5 =	vunpack.c.0.s8.s32 v5;
	s20 =	smax.u32 s8, $0x1;
	s22 =	simm.s32 $0x80;
	s25 =	sadd.s32 s0, s10  }
0x19: {  	v0 =	vcombine.low v1, v0;
	v1 =	vunpack.c.0.s8.s32 v6;
	s1 =	simm.s32 $0xC080;
	s10 =	sadd.s32 s4, s10;
	[dreg:$0xf] =	wrdreg s25  }
0x1a: {  	v2 =	vcombine.low v3, v2;
	v3 =	vcombine.low v5, v4;
	v4 =	vunpack.c.0.s8.s32 v7;
	s8 =	simm.s32 $0x4;
	s0 =	sadd.s32 s0, s6;
	[dreg:$0x10] =	wrdreg s10  }
0x1b: {  	v0 =	vand.u32 $0xF, v0;
	v5 =	vand.u32 $0xF, v1;
	s4 =	simm.s32 $0x5;
	s6 =	simm.s32 $0x7;
	[dreg:$0x13] =	wrdreg s0  }
0x1c: {  	v1 =	vand.u32 $0xF, v2;
	v2 =	vand.u32 $0xF, v3;
	v3 =	vcombine.low v5, v4;
	s25 =	simm.s32 $0xC180;
	s0 =	simm.s32 $0x3;
	s10 =	simm.s32 $0x0  }
.LBB2_1:
0x1d: {  	s11 =	sshrl.u32 @!p0 s2, $0x3;
	s12 =	simm.s32 @!p0 $0x1C09;
	s13 =	rddreg [dreg:$0x3]  }
0x1e: {  	[spmem:s11], [sflag:s12] =	dma.local @!p0 [hbm:s13], $0x3E80  }
0x1f: {  	s11 =	simm.s32 @!p0 $0x9  }
0x20: {  	_ =	swait.ge @!p0 [sflag:s11], $0x3E80  }
0x21: {  	[sflag:s11] =	ssyncset.done @!p0 $0x0  }
0x22: {  	[sflag:s11] =	ssyncadd.s32 @!p0 $0xFFFFC180  }
0x23: {  	[bflag:$0x0] =	sbarrier.arrive $0xFFFF  }
0x24: {  	s23 =	rddreg [dreg:$0x7]  }
0x25: {  	[tilespmem:s3], [sflag:$0x9] =	stream.linear.gather [hbm4b:s23+s3], $0x80, $0x38;
	[tilespmem:$0x1A240] =	vst v63  }
0x26: {  	_ =	swait.ge [sflag:s21], $0x80  }
0x27: {  	[sflag:s21] =	ssyncset.done $0x0  }
0x28: {  	s24 =	simm.s32 $0x8080;
	[sflag:s21] =	ssyncadd.s32 $0xFFFFFF80  }
0x29: {  	[tilespmem:s24], [sflag:$0x1] =	stream.indirect.gather [spmem:s2], $0x80, s3, s22, $0xb8;
	[tilespmem:$0x1A240] =	vst v63  }
0x2a: {  	s26 =	rddreg [dreg:$0x8]  }
0x2b: {  	[tilespmem:s22], [sflag:$0x2] =	stream.linear.gather [hbm4b:s26+s3], $0x4000, $0x38;
	[tilespmem:$0x1A240] =	vst v63  }
0x2c: {  	s13 =	simm.s32 $0x4080;
	s12 =	rddreg [dreg:$0x9]  }
0x2d: {  	[tilespmem:s13], [sflag:$0x3] =	stream.linear.gather [hbm4b:s12+s3], $0x4000, $0x38;
	[tilespmem:$0x1A240] =	vst v63  }
0x2e: {  	s14 =	rddreg [dreg:$0xa]  }
0x2f: {  	[tilespmem:s25], [sflag:$0x9] =	stream.linear.gather [hbm4b:s14+s3], $0x80, $0x38;
	[tilespmem:$0x1A240] =	vst v63  }
0x30: {  	_ =	swait.ge [sflag:s21], $0x80  }
0x31: {  	[sflag:s21] =	ssyncset.done $0x0  }
0x32: {  	s15 =	simm.s32 $0x14200;
	[sflag:s21] =	ssyncadd.s32 $0xFFFFFF80  }
0x33: {  	[tilespmem:s15], [sflag:$0x5] =	stream.indirect.gather [spmem:s2], $0x80, s25, s22, $0xb8;
	[tilespmem:$0x1A240] =	vst v63  }
0x34: {  	s23 =	simm.s32 $0xC200;
	s16 =	rddreg [dreg:$0xb]  }
0x35: {  	[tilespmem:s23], [sflag:$0x6] =	stream.linear.gather [hbm4b:s16+s3], $0x4000, $0x38;
	[tilespmem:$0x1A240] =	vst v63  }
0x36: {  	s24 =	rddreg [dreg:$0xc]  }
0x37: {  	[tilespmem:s29], [sflag:$0x7] =	stream.linear.gather [hbm4b:s24+s3], $0x4000, $0x38;
	[tilespmem:$0x1A240] =	vst v63  }
0x38: {  	_ =	swait.ge [sflag:s30], $0x4000  }
0x39: {  	[sflag:s30] =	ssyncset.done $0x0  }
0x3a: {  	[sflag:s30] =	ssyncadd.s32 $0xFFFFC000  }
0x3b: {  	_ =	swait.ge [sflag:s31], $0x4000  }
0x3c: {  	[sflag:s31] =	ssyncset.done $0x0  }
0x3d: {  	[sflag:s31] =	ssyncadd.s32 $0xFFFFC000  }
0x3e: {  	_ =	swait.ge [sflag:s0], $0x4000  }
0x3f: {  	[sflag:s0] =	ssyncset.done $0x0  }
0x40: {  	s11 =	simm.s32 $0x4100;
	[sflag:s0] =	ssyncadd.s32 $0xFFFFC000  }
0x41: {  	v5 =	vld [tilespmem:s11+$0xFFFFFFE0]  }
0x42: {  	v4 =	vld [tilespmem:s11+$0xFFFFFFD0]  }
0x43: {  	v6 =	vld [tilespmem:s11+$0xFFFFFFC0]  }
0x44: {  	v7 =	vld [tilespmem:s11+$0xFFFFFFB0]  }
0x45: {  	v8 =	vld [tilespmem:s11+$0xFFFFFFA0]  }
0x46: {  	s15 =	simm.s32 $0x100;
	v9 =	vld [tilespmem:s11+$0xFFFFFF80]  }
0x47: {  	v10 =	vld [tilespmem:s15+$0xFFFFFFA0]  }
0x48: {  	s26 =	simm.s32 $0x8100;
	v11 =	vld [tilespmem:s15+$0xFFFFFF80]  }
0x49: {  	v12 =	vld [tilespmem:s26+$0xFFFFFF80]  }
0x4a: {  	v13 =	vld [tilespmem:s15+$0xFFFFFF90]  }
0x4b: {  	v14 =	vld [tilespmem:s26+$0xFFFFFF90]  }
0x4c: {  	v15 =	vld [tilespmem:s26+$0xFFFFFFA0]  }
0x4d: {  	v16 =	vld [tilespmem:s11+$0xFFFFFF90]  }
0x4e: {  	v17 =	vld [tilespmem:s15+$0xFFFFFFB0]  }
0x4f: {  	v18 =	vld [tilespmem:s26+$0xFFFFFFB0]  }
0x50: {  	v19 =	vld [tilespmem:s15+$0xFFFFFFC0];
	v11 =	vmul.f32 v12, v11;
	v12 =	vmul.f32 v14, v13  }
0x51: {  	v13 =	vld [tilespmem:s26+$0xFFFFFFC0];
	v10 =	vmul.f32 v15, v10  }
0x52: {  	v14 =	vld [tilespmem:s15+$0xFFFFFFD0];
	v9 =	vmul.f32 v9, v11;
	v11 =	vmul.f32 v16, v12  }
0x53: {  	v12 =	vld [tilespmem:s26+$0xFFFFFFD0]  }
0x54: {  	v15 =	vld [tilespmem:s15+$0xFFFFFFE0];
	v16 =	vmul.f32 v18, v17;
	v8 =	vmul.f32 v8, v10;
	v9 =	vadd.f32 v11, v9  }
0x55: {  	v10 =	vld [tilespmem:s26+$0xFFFFFFE0]  }
0x56: {  	v11 =	vld [tilespmem:s15+$0xFFFFFFF0];
	v7 =	vmul.f32 v7, v16;
	v8 =	vadd.f32 v8, v9;
	v9 =	vmul.f32 v13, v19  }
0x57: {  	v13 =	vld [tilespmem:s26+$0xFFFFFFF0]  }
0x58: {  	v7 =	vadd.f32 v7, v8;
	v6 =	vmul.f32 v6, v9;
	v8 =	vmul.f32 v12, v14  }
0x59: {  	v9 =	vld [tilespmem:s11+$0xFFFFFFF0]  }
0x5a: {  	s13 =	simm.s32 $0x8200;
	v6 =	vadd.f32 v6, v7;
	v7 =	vmul.f32 v4, v8;
	v8 =	vmul.f32 v10, v15  }
0x5b: {  	s24 =	simm.s32 $0x200;
	v20 =	vld [tilespmem:s13+$0xFFFFFFC0]  }
0x5c: {  	v21 =	vld [tilespmem:s24+$0xFFFFFFB0];
	v10 =	vmul.f32 v13, v11;
	v7 =	vadd.f32 v7, v6;
	v8 =	vmul.f32 v5, v8  }
0x5d: {  	s23 =	simm.s32 $0x4200;
	v22 =	vld [tilespmem:s13+$0xFFFFFFB0]  }
0x5e: {  	v23 =	vld [tilespmem:s23+$0xFFFFFF80];
	v9 =	vmul.f32 v9, v10;
	v8 =	vadd.f32 v8, v7  }
0x5f: {  	v24 =	vld [tilespmem:s23+$0xFFFFFF90]  }
0x60: {  	v25 =	vld [tilespmem:s24+$0xFFFFFFA0];
	v8 =	vadd.f32 v9, v8  }
0x61: {  	v26 =	vld [tilespmem:s13+$0xFFFFFFA0]  }
0x62: {  	v27 =	vld [tilespmem:s24+$0xFFFFFF80];
	v9 =	vperm.xlane v8, v0  }
0x63: {  	v28 =	vld [tilespmem:s13+$0xFFFFFF80]  }
0x64: {  	v29 =	vld [tilespmem:s24+$0xFFFFFF90];
	v8 =	vadd.f32 v8, v9  }
0x65: {  	v30 =	vld [tilespmem:s13+$0xFFFFFF90]  }
0x66: {  	v17 =	vld [tilespmem:s24+$0xFFFFFFD0];
	v9 =	vperm.xlane v8, v1  }
0x67: {  	v18 =	vld [tilespmem:s24+$0xFFFFFFC0]  }
0x68: {  	v16 =	vld [tilespmem:s23+$0xFFFFFFC0];
	v8 =	vadd.f32 v8, v9  }
0x69: {  	v19 =	vld [tilespmem:s13+$0xFFFFFFD0]  }
0x6a: {  	v12 =	vld [tilespmem:s24+$0xFFFFFFE0];
	v9 =	vperm.xlane v8, v2  }
0x6b: {  	v14 =	vld [tilespmem:s23+$0xFFFFFFB0]  }
0x6c: {  	v4 =	vld [tilespmem:s23+$0xFFFFFFF0];
	v8 =	vadd.f32 v8, v9  }
0x6d: {  	v15 =	vld [tilespmem:s23+$0xFFFFFFA0]  }
0x6e: {  	v11 =	vld [tilespmem:s23+$0xFFFFFFD0];
	v9 =	vperm.xlane v8, v3  }
0x6f: {  	v13 =	vld [tilespmem:s13+$0xFFFFFFE0]  }
0x70: {  	v5 =	vld [tilespmem:s23+$0xFFFFFFE0];
	v8 =	vadd.f32 v8, v9  }
0x71: {  	s14 =	simm.s32 $0xC081;
	v6 =	vld [tilespmem:s24+$0xFFFFFFF0]  }
0x72: {  	v7 =	vld [tilespmem:s13+$0xFFFFFFF0];
	[tilespmem:s14+$0xFFFFFFFF] =	vst.msk $0x1, v8  }
0x73: {  	v8 =	vld [tilespmem:s11+$0x60]  }
0x74: {  	v9 =	vld [tilespmem:s11+$0x50]  }
0x75: {  	v10 =	vld [tilespmem:s11+$0x40]  }
0x76: {  	v31 =	vld [tilespmem:s11+$0x30]  }
0x77: {  	v32 =	vld [tilespmem:s11+$0x20]  }
0x78: {  	v33 =	vld [tilespmem:s11+$0x0]  }
0x79: {  	v34 =	vld [tilespmem:s15+$0x20]  }
0x7a: {  	v35 =	vld [tilespmem:s15+$0x0]  }
0x7b: {  	v36 =	vld [tilespmem:s26+$0x0]  }
0x7c: {  	v37 =	vld [tilespmem:s15+$0x10]  }
0x7d: {  	v38 =	vld [tilespmem:s26+$0x10]  }
0x7e: {  	v39 =	vld [tilespmem:s26+$0x20]  }
0x7f: {  	v27 =	vmul.f32 v28, v27;
	v52 =	vmul.f32 v30, v29;
	v53 =	vld [tilespmem:s11+$0x10]  }
0x80: {  	v25 =	vmul.f32 v26, v25;
	v21 =	vmul.f32 v22, v21;
	v22 =	vld [tilespmem:s15+$0x30]  }
0x81: {  	v23 =	vmul.f32 v23, v27;
	v24 =	vmul.f32 v24, v52;
	v54 =	vld [tilespmem:s26+$0x30]  }
0x82: {  	v57 =	vld [tilespmem:s15+$0x40];
	v55 =	vmul.f32 v36, v35;
	v56 =	vmul.f32 v38, v37  }
0x83: {  	v23 =	vadd.f32 v24, v23;
	v58 =	vmul.f32 v15, v25;
	v60 =	vld [tilespmem:s26+$0x40];
	v59 =	vmul.f32 v39, v34  }
0x84: {  	v15 =	vld [tilespmem:s15+$0x50];
	v27 =	vmul.f32 v33, v55;
	v28 =	vmul.f32 v53, v56  }
0x85: {  	v20 =	vmul.f32 v20, v18;
	v21 =	vmul.f32 v14, v21;
	v23 =	vadd.f32 v58, v23;
	v18 =	vld [tilespmem:s26+$0x50]  }
0x86: {  	v14 =	vld [tilespmem:s15+$0x60];
	v22 =	vmul.f32 v54, v22;
	v25 =	vmul.f32 v32, v59;
	v61 =	vadd.f32 v28, v27  }
0x87: {  	v62 =	vmul.f32 v16, v20;
	v63 =	vmul.f32 v19, v17;
	v23 =	vadd.f32 v21, v23;
	v17 =	vld [tilespmem:s26+$0x60]  }
0x88: {  	s28 =	simm.s32 $0x2;
	s12 =	simm.s32 $0xC081;
	v16 =	vld [tilespmem:s15+$0x70];
	v21 =	vmul.f32 v60, v57;
	v20 =	vmul.f32 v31, v22;
	v19 =	vadd.f32 v25, v61  }
0x89: {  	s16 =	simm.s32 $0x4300;
	v12 =	vmul.f32 v13, v12;
	s15 =	simm.s32 $0x200;
	v22 =	vadd.f32 v62, v23;
	v23 =	vmul.f32 v11, v63;
	v11 =	vld [tilespmem:s26+$0x70];
	s26 =	simm.s32 $0x8200  }
.LBB2_2:
0x8a: {  	v13 =	vld [tilespmem:s16+$0xFFFFFFF0];
	v19 =	vadd.f32 v20, v19;
	v10 =	vmul.f32 v10, v21;
	v15 =	vmul.f32 v18, v15  }
0x8b: {  	v7 =	vmul.f32 v7, v6;
	v18 =	vadd.f32 v23, v22;
	v12 =	vmul.f32 v5, v12;
	v20 =	vld [tilespmem:s11+$0x70];
	s11 =	smov.u32 s23;
	s23 =	smov.u32 s16  }
0x8c: {  	s24 =	sadd.s32 $0x100, s24;
	v5 =	vld [tilespmem:s16+$0xFFFFFFE0];
	v10 =	vadd.f32 v10, v19;
	v9 =	vmul.f32 v9, v15;
	v14 =	vmul.f32 v17, v14  }
0x8d: {  	s13 =	sadd.s32 $0x100, s13;
	v17 =	vmul.f32 v4, v7;
	v6 =	vld [tilespmem:s24+$0xFFFFFFF0];
	v15 =	vadd.f32 v12, v18  }
0x8e: {  	v7 =	vld [tilespmem:s13+$0xFFFFFFF0];
	v9 =	vadd.f32 v9, v10;
	v8 =	vmul.f32 v8, v14;
	v10 =	vmul.f32 v11, v16  }
0x8f: {  	v11 =	vld [tilespmem:s16+$0xFFFFFFD0];
	v4 =	vmov v13  }
0x90: {  	v14 =	vadd.f32 v17, v15;
	v12 =	vld [tilespmem:s24+$0xFFFFFFE0];
	v8 =	vadd.f32 v8, v9;
	v9 =	vmul.f32 v20, v10  }
0x91: {  	v13 =	vld [tilespmem:s13+$0xFFFFFFE0]  }
0x92: {  	v10 =	vperm.xlane v14, v0;
	v16 =	vld [tilespmem:s16+$0xFFFFFFC0];
	v8 =	vadd.f32 v9, v8  }
0x93: {  	v17 =	vld [tilespmem:s24+$0xFFFFFFD0]  }
0x94: {  	v9 =	vadd.f32 v14, v10;
	v19 =	vld [tilespmem:s13+$0xFFFFFFD0];
	v10 =	vperm.xlane v8, v0  }
0x95: {  	v14 =	vld [tilespmem:s16+$0xFFFFFFB0]  }
0x96: {  	v15 =	vperm.xlane v9, v1;
	v18 =	vld [tilespmem:s24+$0xFFFFFFC0];
	v8 =	vadd.f32 v8, v10  }
0x97: {  	v20 =	vld [tilespmem:s13+$0xFFFFFFC0]  }
0x98: {  	v9 =	vadd.f32 v9, v15;
	v21 =	vld [tilespmem:s16+$0xFFFFFFA0];
	v10 =	vperm.xlane v8, v1  }
0x99: {  	v15 =	vld [tilespmem:s24+$0xFFFFFFB0]  }
0x9a: {  	v23 =	vperm.xlane v9, v2;
	v22 =	vld [tilespmem:s13+$0xFFFFFFB0];
	v8 =	vadd.f32 v8, v10  }
0x9b: {  	v24 =	vld [tilespmem:s16+$0xFFFFFF80]  }
0x9c: {  	v9 =	vadd.f32 v9, v23;
	v25 =	vld [tilespmem:s16+$0xFFFFFF90];
	v10 =	vperm.xlane v8, v2  }
0x9d: {  	v23 =	vld [tilespmem:s24+$0xFFFFFFA0]  }
0x9e: {  	v27 =	vperm.xlane v9, v3;
	v26 =	vld [tilespmem:s13+$0xFFFFFFA0];
	v8 =	vadd.f32 v8, v10  }
0x9f: {  	v28 =	vld [tilespmem:s24+$0xFFFFFF80]  }
0xa0: {  	v9 =	vadd.f32 v9, v27;
	v29 =	vld [tilespmem:s13+$0xFFFFFF80];
	v10 =	vperm.xlane v8, v3  }
0xa1: {  	s14 =	sadd.s32 $0x2, s14;
	v27 =	vld [tilespmem:s24+$0xFFFFFF90]  }
0xa2: {  	v30 =	vld [tilespmem:s13+$0xFFFFFF90];
	[tilespmem:s14+$0xFFFFFFFF] =	vst.msk $0x1, v9;
	v10 =	vadd.f32 v8, v10  }
0xa3: {  	v8 =	vld [tilespmem:s11+$0x60]  }
0xa4: {  	v9 =	vld [tilespmem:s11+$0x50];
	[tilespmem:s12+$0x0] =	vst.msk $0x1, v10;
	s12 =	smov.u32 s14  }
0xa5: {  	v10 =	vld [tilespmem:s11+$0x40]  }
0xa6: {  	v31 =	vld [tilespmem:s11+$0x30]  }
0xa7: {  	v32 =	vld [tilespmem:s11+$0x20]  }
0xa8: {  	v33 =	vld [tilespmem:s11+$0x0]  }
0xa9: {  	v34 =	vld [tilespmem:s15+$0x20]  }
0xaa: {  	v35 =	vld [tilespmem:s15+$0x0]  }
0xab: {  	v36 =	vld [tilespmem:s26+$0x0]  }
0xac: {  	v37 =	vld [tilespmem:s15+$0x10]  }
0xad: {  	v38 =	vld [tilespmem:s26+$0x10]  }
0xae: {  	v39 =	vld [tilespmem:s26+$0x20]  }
0xaf: {  	v28 =	vmul.f32 v29, v28;
	v27 =	vmul.f32 v30, v27;
	v29 =	vld [tilespmem:s11+$0x10]  }
0xb0: {  	v22 =	vmul.f32 v22, v15;
	v23 =	vmul.f32 v26, v23;
	v26 =	vld [tilespmem:s15+$0x30]  }
0xb1: {  	v15 =	vmul.f32 v24, v28;
	v24 =	vmul.f32 v25, v27;
	v25 =	vld [tilespmem:s26+$0x30]  }
0xb2: {  	v27 =	vmul.f32 v36, v35;
	v28 =	vmul.f32 v38, v37;
	v30 =	vld [tilespmem:s15+$0x40]  }
0xb3: {  	s28 =	sadd.s32 $0x2, s28;
	v21 =	vmul.f32 v21, v23;
	v24 =	vadd.f32 v24, v15;
	v23 =	vmul.f32 v39, v34;
	v34 =	vld [tilespmem:s26+$0x40]  }
0xb4: {  	p1 =	slt.u32 s28, $0x7E;
	v27 =	vmul.f32 v33, v27;
	v28 =	vmul.f32 v29, v28;
	v15 =	vld [tilespmem:s15+$0x50]  }
.Ltmp0:
0xb5: {  	v20 =	vmul.f32 v20, v18;
	v22 =	vmul.f32 v14, v22;
	v21 =	vadd.f32 v21, v24;
	v18 =	vld [tilespmem:s26+$0x50];
	(pc) =	sbr.rel @p1 .LBB2_2-.Ltmp0, $4  }
0xb6: {  	v23 =	vmul.f32 v32, v23;
	v24 =	vadd.f32 v28, v27;
	v25 =	vmul.f32 v25, v26;
	v14 =	vld [tilespmem:s15+$0x60]  }
0xb7: {  	v22 =	vadd.f32 v22, v21;
	v26 =	vmul.f32 v16, v20;
	v27 =	vmul.f32 v19, v17;
	v17 =	vld [tilespmem:s26+$0x60]  }
0xb8: {  	v19 =	vadd.f32 v23, v24;
	v20 =	vmul.f32 v31, v25;
	v21 =	vmul.f32 v34, v30;
	v16 =	vld [tilespmem:s15+$0x70];
	s15 =	smov.u32 s24  }
0xb9: {  	v12 =	vmul.f32 v13, v12;
	s16 =	sadd.s32 $0x100, s16;
	v22 =	vadd.f32 v26, v22;
	v23 =	vmul.f32 v11, v27;
	v11 =	vld [tilespmem:s26+$0x70];
	s26 =	smov.u32 s13  }
0xba: {  	_ = 	snop  }
0xbb: {  	v6 =	vmul.f32 v7, v6;
	v13 =	vadd.f32 v23, v22;
	v5 =	vmul.f32 v5, v12;
	_ =	sdelay $0x1  }
0xbc: {  	v4 =	vmul.f32 v4, v6;
	v5 =	vadd.f32 v5, v13;
	_ =	sdelay $0x1  }
0xbd: {  	v4 =	vadd.f32 v4, v5;
	_ =	sdelay $0x1  }
0xbe: {  	v5 =	vperm.xlane v4, v0;
	_ =	sdelay $0x1  }
0xbf: {  	v4 =	vadd.f32 v4, v5;
	_ =	sdelay $0x1  }
0xc0: {  	v5 =	vperm.xlane v4, v1;
	_ =	sdelay $0x1  }
0xc1: {  	v4 =	vadd.f32 v4, v5;
	_ =	sdelay $0x1  }
0xc2: {  	v5 =	vperm.xlane v4, v2;
	_ =	sdelay $0x1  }
0xc3: {  	v4 =	vadd.f32 v4, v5;
	_ =	sdelay $0x1  }
0xc4: {  	v5 =	vperm.xlane v4, v3;
	_ =	sdelay $0x1  }
0xc5: {  	v4 =	vadd.f32 v4, v5  }
0xc6: {  	s13 =	sadd.s32 $0x2, s14  }
0xc7: {  	[tilespmem:s13+$0xFFFFFFFF] =	vst.msk $0x1, v4  }
0xc8: {  	v4 =	vld [tilespmem:s23+$0x60]  }
0xc9: {  	v5 =	vld [tilespmem:s23+$0x50]  }
0xca: {  	v6 =	vld [tilespmem:s23+$0x40]  }
0xcb: {  	v7 =	vld [tilespmem:s23+$0x30]  }
0xcc: {  	v12 =	vld [tilespmem:s23+$0x20]  }
0xcd: {  	v13 =	vld [tilespmem:s23+$0x0]  }
0xce: {  	v22 =	vld [tilespmem:s15+$0x20]  }
0xcf: {  	v23 =	vld [tilespmem:s15+$0x0]  }
0xd0: {  	v24 =	vld [tilespmem:s26+$0x0]  }
0xd1: {  	v25 =	vld [tilespmem:s15+$0x10]  }
0xd2: {  	v26 =	vld [tilespmem:s26+$0x10]  }
0xd3: {  	v27 =	vld [tilespmem:s26+$0x20]  }
0xd4: {  	v28 =	vld [tilespmem:s23+$0x10]  }
0xd5: {  	v29 =	vld [tilespmem:s15+$0x30]  }
0xd6: {  	v30 =	vld [tilespmem:s26+$0x30]  }
0xd7: {  	v40 =	vld [tilespmem:s15+$0x40];
	v23 =	vmul.f32 v24, v23;
	v39 =	vmul.f32 v26, v25  }
0xd8: {  	v41 =	vld [tilespmem:s26+$0x40];
	v22 =	vmul.f32 v27, v22  }
0xd9: {  	v42 =	vld [tilespmem:s15+$0x50];
	v13 =	vmul.f32 v13, v23;
	v23 =	vmul.f32 v28, v39  }
0xda: {  	v43 =	vld [tilespmem:s26+$0x50]  }
0xdb: {  	v44 =	vld [tilespmem:s26+$0x60];
	v12 =	vmul.f32 v12, v22;
	v22 =	vmul.f32 v30, v29;
	v13 =	vadd.f32 v23, v13  }
0xdc: {  	v15 =	vmul.f32 v18, v15;
	v23 =	vld [tilespmem:s15+$0x60]  }
0xdd: {  	v18 =	vld [tilespmem:s26+$0x70];
	v7 =	vmul.f32 v7, v22;
	v12 =	vadd.f32 v12, v13;
	v13 =	vmul.f32 v41, v40  }
0xde: {  	v19 =	vadd.f32 v20, v19;
	v10 =	vmul.f32 v10, v21;
	v22 =	vld [tilespmem:s15+$0x70]  }
0xdf: {  	v20 =	vld [tilespmem:s11+$0x70];
	v7 =	vadd.f32 v7, v12;
	v6 =	vmul.f32 v6, v13;
	v12 =	vmul.f32 v43, v42  }
0xe0: {  	v10 =	vadd.f32 v10, v19;
	v9 =	vmul.f32 v9, v15;
	v13 =	vmul.f32 v17, v14;
	v14 =	vld [tilespmem:s23+$0x70]  }
0xe1: {  	v6 =	vadd.f32 v6, v7;
	v5 =	vmul.f32 v5, v12;
	v7 =	vmul.f32 v44, v23  }
0xe2: {  	v9 =	vadd.f32 v9, v10;
	v10 =	vmul.f32 v11, v16;
	v8 =	vmul.f32 v8, v13  }
0xe3: {  	v5 =	vadd.f32 v5, v6;
	v4 =	vmul.f32 v4, v7;
	v6 =	vmul.f32 v18, v22  }
0xe4: {  	v7 =	vadd.f32 v8, v9;
	v8 =	vmul.f32 v20, v10  }
0xe5: {  	v4 =	vadd.f32 v4, v5;
	v5 =	vmul.f32 v14, v6  }
0xe6: {  	v6 =	vadd.f32 v8, v7  }
0xe7: {  	v4 =	vadd.f32 v5, v4  }
0xe8: {  	v5 =	vperm.xlane v6, v0  }
0xe9: {  	v7 =	vperm.xlane v4, v0  }
0xea: {  	v5 =	vadd.f32 v6, v5  }
0xeb: {  	v4 =	vadd.f32 v4, v7  }
0xec: {  	v6 =	vperm.xlane v5, v1  }
0xed: {  	v7 =	vperm.xlane v4, v1  }
0xee: {  	v5 =	vadd.f32 v5, v6  }
0xef: {  	v4 =	vadd.f32 v4, v7  }
0xf0: {  	v6 =	vperm.xlane v5, v2  }
0xf1: {  	v7 =	vperm.xlane v4, v2  }
0xf2: {  	v5 =	vadd.f32 v5, v6  }
0xf3: {  	v4 =	vadd.f32 v4, v7  }
0xf4: {  	v6 =	vperm.xlane v5, v3  }
0xf5: {  	v7 =	vperm.xlane v4, v3  }
0xf6: {  	v5 =	vadd.f32 v5, v6  }
0xf7: {  	v4 =	vadd.f32 v4, v7  }
0xf8: {  	[tilespmem:s12+$0x0] =	vst.msk $0x1, v5  }
0xf9: {  	[tilespmem:s13+$0x0] =	vst.msk $0x1, v4  }
0xfa: {  	s24 =	rddreg [dreg:$0xd]  }
0xfb: {  	[hbm4b:s24+s3] =	stream.linear.scatter [tilespmem:s1], [sflag:$0x4], $0x80, $0x38;
	[tilespmem:$0x1A240] =	vst v63  }
0xfc: {  	s26 =	rddreg [dreg:$0xe]  }
0xfd: {  	[tilespmem:s3], [sflag:$0x9] =	stream.linear.gather [hbm4b:s26+s3], $0x80, $0x38;
	[tilespmem:$0x1A240] =	vst v63  }
0xfe: {  	_ =	swait.ge [sflag:s21], $0x80  }
0xff: {  	[sflag:s21] =	ssyncset.done $0x0  }
0x100: {  	s12 =	simm.s32 $0x8080;
	[sflag:s21] =	ssyncadd.s32 $0xFFFFFF80  }
0x101: {  	[tilespmem:s12], [sflag:$0x1] =	stream.indirect.gather [spmem:s2], $0x80, s3, s22, $0xb8;
	[tilespmem:$0x1A240] =	vst v63  }
0x102: {  	s13 =	rddreg [dreg:$0xf]  }
0x103: {  	[tilespmem:s22], [sflag:$0x2] =	stream.linear.gather [hbm4b:s13+s3], $0x4000, $0x38;
	[tilespmem:$0x1A240] =	vst v63  }
0x104: {  	s15 =	simm.s32 $0x4080;
	s14 =	rddreg [dreg:$0x10]  }
0x105: {  	[tilespmem:s15], [sflag:$0x3] =	stream.linear.gather [hbm4b:s14+s3], $0x4000, $0x38;
	[tilespmem:$0x1A240] =	vst v63  }
0x106: {  	_ =	swait.ge [sflag:s4], $0x4000  }
0x107: {  	[sflag:s4] =	ssyncset.done $0x0  }
0x108: {  	[sflag:s4] =	ssyncadd.s32 $0xFFFFC000  }
0x109: {  	_ =	swait.ge [sflag:s5], $0x4000  }
0x10a: {  	[sflag:s5] =	ssyncset.done $0x0  }
0x10b: {  	[sflag:s5] =	ssyncadd.s32 $0xFFFFC000  }
0x10c: {  	_ =	swait.ge [sflag:s6], $0x4000  }
0x10d: {  	[sflag:s6] =	ssyncset.done $0x0  }
0x10e: {  	s11 =	simm.s32 $0x10280;
	[sflag:s6] =	ssyncadd.s32 $0xFFFFC000  }
0x10f: {  	v5 =	vld [tilespmem:s11+$0xFFFFFFE0]  }
0x110: {  	v4 =	vld [tilespmem:s11+$0xFFFFFFD0]  }
0x111: {  	v6 =	vld [tilespmem:s11+$0xFFFFFFC0]  }
0x112: {  	v7 =	vld [tilespmem:s11+$0xFFFFFFB0]  }
0x113: {  	v8 =	vld [tilespmem:s11+$0xFFFFFFA0]  }
0x114: {  	s16 =	simm.s32 $0xC280;
	v9 =	vld [tilespmem:s11+$0xFFFFFF80]  }
0x115: {  	v10 =	vld [tilespmem:s16+$0xFFFFFFA0]  }
0x116: {  	s26 =	simm.s32 $0x14280;
	v11 =	vld [tilespmem:s16+$0xFFFFFF80]  }
0x117: {  	v12 =	vld [tilespmem:s26+$0xFFFFFF80]  }
0x118: {  	v13 =	vld [tilespmem:s16+$0xFFFFFF90]  }
0x119: {  	v14 =	vld [tilespmem:s26+$0xFFFFFF90]  }
0x11a: {  	v15 =	vld [tilespmem:s26+$0xFFFFFFA0]  }
0x11b: {  	v16 =	vld [tilespmem:s11+$0xFFFFFF90]  }
0x11c: {  	v17 =	vld [tilespmem:s16+$0xFFFFFFB0]  }
0x11d: {  	v18 =	vld [tilespmem:s26+$0xFFFFFFB0]  }
0x11e: {  	v19 =	vld [tilespmem:s16+$0xFFFFFFC0];
	v11 =	vmul.f32 v12, v11;
	v12 =	vmul.f32 v14, v13  }
0x11f: {  	v13 =	vld [tilespmem:s26+$0xFFFFFFC0];
	v10 =	vmul.f32 v15, v10  }
0x120: {  	v14 =	vld [tilespmem:s16+$0xFFFFFFD0];
	v9 =	vmul.f32 v9, v11;
	v11 =	vmul.f32 v16, v12  }
0x121: {  	v12 =	vld [tilespmem:s26+$0xFFFFFFD0]  }
0x122: {  	v15 =	vld [tilespmem:s16+$0xFFFFFFE0];
	v16 =	vmul.f32 v18, v17;
	v8 =	vmul.f32 v8, v10;
	v9 =	vadd.f32 v11, v9  }
0x123: {  	v10 =	vld [tilespmem:s26+$0xFFFFFFE0]  }
0x124: {  	v11 =	vld [tilespmem:s16+$0xFFFFFFF0];
	v7 =	vmul.f32 v7, v16;
	v8 =	vadd.f32 v8, v9;
	v9 =	vmul.f32 v13, v19  }
0x125: {  	v13 =	vld [tilespmem:s26+$0xFFFFFFF0]  }
0x126: {  	v7 =	vadd.f32 v7, v8;
	v6 =	vmul.f32 v6, v9;
	v8 =	vmul.f32 v12, v14  }
0x127: {  	v9 =	vld [tilespmem:s11+$0xFFFFFFF0]  }
0x128: {  	s13 =	simm.s32 $0x14380;
	v6 =	vadd.f32 v6, v7;
	v7 =	vmul.f32 v4, v8;
	v8 =	vmul.f32 v10, v15  }
0x129: {  	s24 =	simm.s32 $0xC380;
	v20 =	vld [tilespmem:s13+$0xFFFFFFC0]  }
0x12a: {  	v21 =	vld [tilespmem:s24+$0xFFFFFFB0];
	v10 =	vmul.f32 v13, v11;
	v7 =	vadd.f32 v7, v6;
	v8 =	vmul.f32 v5, v8  }
0x12b: {  	s23 =	simm.s32 $0x10380;
	v22 =	vld [tilespmem:s13+$0xFFFFFFB0]  }
0x12c: {  	v23 =	vld [tilespmem:s23+$0xFFFFFF80];
	v9 =	vmul.f32 v9, v10;
	v8 =	vadd.f32 v8, v7  }
0x12d: {  	v45 =	vld [tilespmem:s23+$0xFFFFFF90]  }
0x12e: {  	v46 =	vld [tilespmem:s24+$0xFFFFFFA0];
	v8 =	vadd.f32 v9, v8  }
0x12f: {  	v47 =	vld [tilespmem:s13+$0xFFFFFFA0]  }
0x130: {  	v48 =	vld [tilespmem:s24+$0xFFFFFF80];
	v9 =	vperm.xlane v8, v0  }
0x131: {  	v49 =	vld [tilespmem:s13+$0xFFFFFF80]  }
0x132: {  	v50 =	vld [tilespmem:s24+$0xFFFFFF90];
	v8 =	vadd.f32 v8, v9  }
0x133: {  	v51 =	vld [tilespmem:s13+$0xFFFFFF90]  }
0x134: {  	v17 =	vld [tilespmem:s24+$0xFFFFFFD0];
	v9 =	vperm.xlane v8, v1  }
0x135: {  	v18 =	vld [tilespmem:s24+$0xFFFFFFC0]  }
0x136: {  	v16 =	vld [tilespmem:s23+$0xFFFFFFC0];
	v8 =	vadd.f32 v8, v9  }
0x137: {  	v19 =	vld [tilespmem:s13+$0xFFFFFFD0]  }
0x138: {  	v12 =	vld [tilespmem:s24+$0xFFFFFFE0];
	v9 =	vperm.xlane v8, v2  }
0x139: {  	v14 =	vld [tilespmem:s23+$0xFFFFFFB0]  }
0x13a: {  	v4 =	vld [tilespmem:s23+$0xFFFFFFF0];
	v8 =	vadd.f32 v8, v9  }
0x13b: {  	v15 =	vld [tilespmem:s23+$0xFFFFFFA0]  }
0x13c: {  	v11 =	vld [tilespmem:s23+$0xFFFFFFD0];
	v9 =	vperm.xlane v8, v3  }
0x13d: {  	v13 =	vld [tilespmem:s13+$0xFFFFFFE0]  }
0x13e: {  	v5 =	vld [tilespmem:s23+$0xFFFFFFE0];
	v8 =	vadd.f32 v8, v9  }
0x13f: {  	s14 =	simm.s32 $0x18201;
	v6 =	vld [tilespmem:s24+$0xFFFFFFF0]  }
0x140: {  	v7 =	vld [tilespmem:s13+$0xFFFFFFF0];
	[tilespmem:s14+$0xFFFFFFFF] =	vst.msk $0x1, v8  }
0x141: {  	v8 =	vld [tilespmem:s11+$0x60]  }
0x142: {  	v9 =	vld [tilespmem:s11+$0x50]  }
0x143: {  	v10 =	vld [tilespmem:s11+$0x40]  }
0x144: {  	v31 =	vld [tilespmem:s11+$0x30]  }
0x145: {  	v32 =	vld [tilespmem:s11+$0x20]  }
0x146: {  	v33 =	vld [tilespmem:s11+$0x0]  }
0x147: {  	v34 =	vld [tilespmem:s16+$0x20]  }
0x148: {  	v35 =	vld [tilespmem:s16+$0x0]  }
0x149: {  	v36 =	vld [tilespmem:s26+$0x0]  }
0x14a: {  	v37 =	vld [tilespmem:s16+$0x10]  }
0x14b: {  	v38 =	vld [tilespmem:s26+$0x10]  }
0x14c: {  	v39 =	vld [tilespmem:s26+$0x20]  }
0x14d: {  	v27 =	vmul.f32 v49, v48;
	v52 =	vmul.f32 v51, v50;
	v53 =	vld [tilespmem:s11+$0x10]  }
0x14e: {  	v25 =	vmul.f32 v47, v46;
	v21 =	vmul.f32 v22, v21;
	v22 =	vld [tilespmem:s16+$0x30]  }
0x14f: {  	v23 =	vmul.f32 v23, v27;
	v24 =	vmul.f32 v45, v52;
	v54 =	vld [tilespmem:s26+$0x30]  }
0x150: {  	v57 =	vld [tilespmem:s16+$0x40];
	v55 =	vmul.f32 v36, v35;
	v56 =	vmul.f32 v38, v37  }
0x151: {  	v23 =	vadd.f32 v24, v23;
	v58 =	vmul.f32 v15, v25;
	v60 =	vld [tilespmem:s26+$0x40];
	v59 =	vmul.f32 v39, v34  }
0x152: {  	v15 =	vld [tilespmem:s16+$0x50];
	v27 =	vmul.f32 v33, v55;
	v28 =	vmul.f32 v53, v56  }
0x153: {  	v20 =	vmul.f32 v20, v18;
	v21 =	vmul.f32 v14, v21;
	v23 =	vadd.f32 v58, v23;
	v18 =	vld [tilespmem:s26+$0x50]  }
0x154: {  	v14 =	vld [tilespmem:s16+$0x60];
	v22 =	vmul.f32 v54, v22;
	v25 =	vmul.f32 v32, v59;
	v61 =	vadd.f32 v28, v27  }
0x155: {  	v62 =	vmul.f32 v16, v20;
	v63 =	vmul.f32 v19, v17;
	v23 =	vadd.f32 v21, v23;
	v17 =	vld [tilespmem:s26+$0x60]  }
0x156: {  	s28 =	simm.s32 $0x2;
	s12 =	simm.s32 $0x18201;
	v16 =	vld [tilespmem:s16+$0x70];
	v21 =	vmul.f32 v60, v57;
	v20 =	vmul.f32 v31, v22;
	v19 =	vadd.f32 v25, v61  }
0x157: {  	s15 =	simm.s32 $0xC380;
	v12 =	vmul.f32 v13, v12;
	s16 =	simm.s32 $0x10480;
	v22 =	vadd.f32 v62, v23;
	v23 =	vmul.f32 v11, v63;
	v11 =	vld [tilespmem:s26+$0x70];
	s26 =	simm.s32 $0x14380  }
.LBB2_4:
0x158: {  	v13 =	vld [tilespmem:s16+$0xFFFFFFF0];
	v19 =	vadd.f32 v20, v19;
	v10 =	vmul.f32 v10, v21;
	v15 =	vmul.f32 v18, v15  }
0x159: {  	v7 =	vmul.f32 v7, v6;
	v18 =	vadd.f32 v23, v22;
	v12 =	vmul.f32 v5, v12;
	v20 =	vld [tilespmem:s11+$0x70];
	s11 =	smov.u32 s23;
	s23 =	smov.u32 s16  }
0x15a: {  	s24 =	sadd.s32 $0x100, s24;
	v5 =	vld [tilespmem:s16+$0xFFFFFFE0];
	v10 =	vadd.f32 v10, v19;
	v9 =	vmul.f32 v9, v15;
	v14 =	vmul.f32 v17, v14  }
0x15b: {  	s13 =	sadd.s32 $0x100, s13;
	v17 =	vmul.f32 v4, v7;
	v6 =	vld [tilespmem:s24+$0xFFFFFFF0];
	v15 =	vadd.f32 v12, v18  }
0x15c: {  	v7 =	vld [tilespmem:s13+$0xFFFFFFF0];
	v9 =	vadd.f32 v9, v10;
	v8 =	vmul.f32 v8, v14;
	v10 =	vmul.f32 v11, v16  }
0x15d: {  	v11 =	vld [tilespmem:s16+$0xFFFFFFD0];
	v4 =	vmov v13  }
0x15e: {  	v14 =	vadd.f32 v17, v15;
	v12 =	vld [tilespmem:s24+$0xFFFFFFE0];
	v8 =	vadd.f32 v8, v9;
	v9 =	vmul.f32 v20, v10  }
0x15f: {  	v13 =	vld [tilespmem:s13+$0xFFFFFFE0]  }
0x160: {  	v10 =	vperm.xlane v14, v0;
	v16 =	vld [tilespmem:s16+$0xFFFFFFC0];
	v8 =	vadd.f32 v9, v8  }
0x161: {  	v17 =	vld [tilespmem:s24+$0xFFFFFFD0]  }
0x162: {  	v9 =	vadd.f32 v14, v10;
	v19 =	vld [tilespmem:s13+$0xFFFFFFD0];
	v10 =	vperm.xlane v8, v0  }
0x163: {  	v14 =	vld [tilespmem:s16+$0xFFFFFFB0]  }
0x164: {  	v15 =	vperm.xlane v9, v1;
	v18 =	vld [tilespmem:s24+$0xFFFFFFC0];
	v8 =	vadd.f32 v8, v10  }
0x165: {  	v20 =	vld [tilespmem:s13+$0xFFFFFFC0]  }
0x166: {  	v9 =	vadd.f32 v9, v15;
	v21 =	vld [tilespmem:s16+$0xFFFFFFA0];
	v10 =	vperm.xlane v8, v1  }
0x167: {  	v15 =	vld [tilespmem:s24+$0xFFFFFFB0]  }
0x168: {  	v23 =	vperm.xlane v9, v2;
	v22 =	vld [tilespmem:s13+$0xFFFFFFB0];
	v8 =	vadd.f32 v8, v10  }
0x169: {  	v24 =	vld [tilespmem:s16+$0xFFFFFF80]  }
0x16a: {  	v9 =	vadd.f32 v9, v23;
	v25 =	vld [tilespmem:s16+$0xFFFFFF90];
	v10 =	vperm.xlane v8, v2  }
0x16b: {  	v23 =	vld [tilespmem:s24+$0xFFFFFFA0]  }
0x16c: {  	v27 =	vperm.xlane v9, v3;
	v26 =	vld [tilespmem:s13+$0xFFFFFFA0];
	v8 =	vadd.f32 v8, v10  }
0x16d: {  	v28 =	vld [tilespmem:s24+$0xFFFFFF80]  }
0x16e: {  	v9 =	vadd.f32 v9, v27;
	v29 =	vld [tilespmem:s13+$0xFFFFFF80];
	v10 =	vperm.xlane v8, v3  }
0x16f: {  	s14 =	sadd.s32 $0x2, s14;
	v27 =	vld [tilespmem:s24+$0xFFFFFF90]  }
0x170: {  	v30 =	vld [tilespmem:s13+$0xFFFFFF90];
	[tilespmem:s14+$0xFFFFFFFF] =	vst.msk $0x1, v9;
	v10 =	vadd.f32 v8, v10  }
0x171: {  	v8 =	vld [tilespmem:s11+$0x60]  }
0x172: {  	v9 =	vld [tilespmem:s11+$0x50];
	[tilespmem:s12+$0x0] =	vst.msk $0x1, v10;
	s12 =	smov.u32 s14  }
0x173: {  	v10 =	vld [tilespmem:s11+$0x40]  }
0x174: {  	v31 =	vld [tilespmem:s11+$0x30]  }
0x175: {  	v32 =	vld [tilespmem:s11+$0x20]  }
0x176: {  	v33 =	vld [tilespmem:s11+$0x0]  }
0x177: {  	v34 =	vld [tilespmem:s15+$0x20]  }
0x178: {  	v35 =	vld [tilespmem:s15+$0x0]  }
0x179: {  	v36 =	vld [tilespmem:s26+$0x0]  }
0x17a: {  	v37 =	vld [tilespmem:s15+$0x10]  }
0x17b: {  	v38 =	vld [tilespmem:s26+$0x10]  }
0x17c: {  	v39 =	vld [tilespmem:s26+$0x20]  }
0x17d: {  	v28 =	vmul.f32 v29, v28;
	v27 =	vmul.f32 v30, v27;
	v29 =	vld [tilespmem:s11+$0x10]  }
0x17e: {  	v22 =	vmul.f32 v22, v15;
	v23 =	vmul.f32 v26, v23;
	v26 =	vld [tilespmem:s15+$0x30]  }
0x17f: {  	v15 =	vmul.f32 v24, v28;
	v24 =	vmul.f32 v25, v27;
	v25 =	vld [tilespmem:s26+$0x30]  }
0x180: {  	v27 =	vmul.f32 v36, v35;
	v28 =	vmul.f32 v38, v37;
	v30 =	vld [tilespmem:s15+$0x40]  }
0x181: {  	s28 =	sadd.s32 $0x2, s28;
	v21 =	vmul.f32 v21, v23;
	v24 =	vadd.f32 v24, v15;
	v23 =	vmul.f32 v39, v34;
	v34 =	vld [tilespmem:s26+$0x40]  }
0x182: {  	p1 =	slt.u32 s28, $0x7E;
	v27 =	vmul.f32 v33, v27;
	v28 =	vmul.f32 v29, v28;
	v15 =	vld [tilespmem:s15+$0x50]  }
.Ltmp1:
0x183: {  	v20 =	vmul.f32 v20, v18;
	v22 =	vmul.f32 v14, v22;
	v21 =	vadd.f32 v21, v24;
	v18 =	vld [tilespmem:s26+$0x50];
	(pc) =	sbr.rel @p1 .LBB2_4-.Ltmp1, $4  }
0x184: {  	v23 =	vmul.f32 v32, v23;
	v24 =	vadd.f32 v28, v27;
	v25 =	vmul.f32 v25, v26;
	v14 =	vld [tilespmem:s15+$0x60]  }
0x185: {  	v22 =	vadd.f32 v22, v21;
	v26 =	vmul.f32 v16, v20;
	v27 =	vmul.f32 v19, v17;
	v17 =	vld [tilespmem:s26+$0x60]  }
0x186: {  	v19 =	vadd.f32 v23, v24;
	v20 =	vmul.f32 v31, v25;
	v21 =	vmul.f32 v34, v30;
	v16 =	vld [tilespmem:s15+$0x70];
	s15 =	smov.u32 s24  }
0x187: {  	v12 =	vmul.f32 v13, v12;
	s16 =	sadd.s32 $0x100, s16;
	v22 =	vadd.f32 v26, v22;
	v23 =	vmul.f32 v11, v27;
	v11 =	vld [tilespmem:s26+$0x70];
	s26 =	smov.u32 s13  }
0x188: {  	_ = 	snop  }
0x189: {  	v6 =	vmul.f32 v7, v6;
	v13 =	vadd.f32 v23, v22;
	v5 =	vmul.f32 v5, v12;
	_ =	sdelay $0x1  }
0x18a: {  	v4 =	vmul.f32 v4, v6;
	v5 =	vadd.f32 v5, v13;
	_ =	sdelay $0x1  }
0x18b: {  	v4 =	vadd.f32 v4, v5;
	_ =	sdelay $0x1  }
0x18c: {  	v5 =	vperm.xlane v4, v0;
	_ =	sdelay $0x1  }
0x18d: {  	v4 =	vadd.f32 v4, v5;
	_ =	sdelay $0x1  }
0x18e: {  	v5 =	vperm.xlane v4, v1;
	_ =	sdelay $0x1  }
0x18f: {  	v4 =	vadd.f32 v4, v5;
	_ =	sdelay $0x1  }
0x190: {  	v5 =	vperm.xlane v4, v2;
	_ =	sdelay $0x1  }
0x191: {  	v4 =	vadd.f32 v4, v5;
	_ =	sdelay $0x1  }
0x192: {  	v5 =	vperm.xlane v4, v3;
	_ =	sdelay $0x1  }
0x193: {  	v4 =	vadd.f32 v4, v5  }
0x194: {  	s13 =	sadd.s32 $0x2, s14  }
0x195: {  	[tilespmem:s13+$0xFFFFFFFF] =	vst.msk $0x1, v4  }
0x196: {  	v4 =	vld [tilespmem:s23+$0x60]  }
0x197: {  	v5 =	vld [tilespmem:s23+$0x50]  }
0x198: {  	v6 =	vld [tilespmem:s23+$0x40]  }
0x199: {  	v7 =	vld [tilespmem:s23+$0x30]  }
0x19a: {  	v12 =	vld [tilespmem:s23+$0x20]  }
0x19b: {  	v13 =	vld [tilespmem:s23+$0x0]  }
0x19c: {  	v22 =	vld [tilespmem:s15+$0x20]  }
0x19d: {  	v23 =	vld [tilespmem:s15+$0x0]  }
0x19e: {  	v24 =	vld [tilespmem:s26+$0x0]  }
0x19f: {  	v25 =	vld [tilespmem:s15+$0x10]  }
0x1a0: {  	v26 =	vld [tilespmem:s26+$0x10]  }
0x1a1: {  	v27 =	vld [tilespmem:s26+$0x20]  }
0x1a2: {  	v28 =	vld [tilespmem:s23+$0x10]  }
0x1a3: {  	v29 =	vld [tilespmem:s15+$0x30]  }
0x1a4: {  	v30 =	vld [tilespmem:s26+$0x30]  }
0x1a5: {  	v40 =	vld [tilespmem:s15+$0x40];
	v23 =	vmul.f32 v24, v23;
	v39 =	vmul.f32 v26, v25  }
0x1a6: {  	v41 =	vld [tilespmem:s26+$0x40];
	v22 =	vmul.f32 v27, v22  }
0x1a7: {  	v42 =	vld [tilespmem:s15+$0x50];
	v13 =	vmul.f32 v13, v23;
	v23 =	vmul.f32 v28, v39  }
0x1a8: {  	v43 =	vld [tilespmem:s26+$0x50]  }
0x1a9: {  	v44 =	vld [tilespmem:s26+$0x60];
	v12 =	vmul.f32 v12, v22;
	v22 =	vmul.f32 v30, v29;
	v13 =	vadd.f32 v23, v13  }
0x1aa: {  	v15 =	vmul.f32 v18, v15;
	v23 =	vld [tilespmem:s15+$0x60]  }
0x1ab: {  	v18 =	vld [tilespmem:s26+$0x70];
	v7 =	vmul.f32 v7, v22;
	v12 =	vadd.f32 v12, v13;
	v13 =	vmul.f32 v41, v40  }
0x1ac: {  	v19 =	vadd.f32 v20, v19;
	v10 =	vmul.f32 v10, v21;
	v22 =	vld [tilespmem:s15+$0x70]  }
0x1ad: {  	v20 =	vld [tilespmem:s11+$0x70];
	v7 =	vadd.f32 v7, v12;
	v6 =	vmul.f32 v6, v13;
	v12 =	vmul.f32 v43, v42  }
0x1ae: {  	v10 =	vadd.f32 v10, v19;
	v9 =	vmul.f32 v9, v15;
	v13 =	vmul.f32 v17, v14;
	v14 =	vld [tilespmem:s23+$0x70]  }
0x1af: {  	v6 =	vadd.f32 v6, v7;
	v5 =	vmul.f32 v5, v12;
	v7 =	vmul.f32 v44, v23  }
0x1b0: {  	v9 =	vadd.f32 v9, v10;
	v10 =	vmul.f32 v11, v16;
	v8 =	vmul.f32 v8, v13  }
0x1b1: {  	v5 =	vadd.f32 v5, v6;
	v4 =	vmul.f32 v4, v7;
	v6 =	vmul.f32 v18, v22  }
0x1b2: {  	v7 =	vadd.f32 v8, v9;
	v8 =	vmul.f32 v20, v10  }
0x1b3: {  	v4 =	vadd.f32 v4, v5;
	v5 =	vmul.f32 v14, v6  }
0x1b4: {  	v6 =	vadd.f32 v8, v7  }
0x1b5: {  	v4 =	vadd.f32 v5, v4  }
0x1b6: {  	v5 =	vperm.xlane v6, v0  }
0x1b7: {  	v7 =	vperm.xlane v4, v0  }
0x1b8: {  	v5 =	vadd.f32 v6, v5  }
0x1b9: {  	v4 =	vadd.f32 v4, v7  }
0x1ba: {  	v6 =	vperm.xlane v5, v1  }
0x1bb: {  	v7 =	vperm.xlane v4, v1  }
0x1bc: {  	v5 =	vadd.f32 v5, v6  }
0x1bd: {  	v4 =	vadd.f32 v4, v7  }
0x1be: {  	v6 =	vperm.xlane v5, v2  }
0x1bf: {  	v7 =	vperm.xlane v4, v2  }
0x1c0: {  	v5 =	vadd.f32 v5, v6  }
0x1c1: {  	v4 =	vadd.f32 v4, v7  }
0x1c2: {  	v6 =	vperm.xlane v5, v3  }
0x1c3: {  	v7 =	vperm.xlane v4, v3  }
0x1c4: {  	v5 =	vadd.f32 v5, v6  }
0x1c5: {  	v4 =	vadd.f32 v4, v7  }
0x1c6: {  	[tilespmem:s12+$0x0] =	vst.msk $0x1, v5  }
0x1c7: {  	[tilespmem:s13+$0x0] =	vst.msk $0x1, v4  }
0x1c8: {  	s26 =	rddreg [dreg:$0x11]  }
0x1c9: {  	[hbm4b:s26+s3] =	stream.linear.scatter [tilespmem:s7], [sflag:$0x8], $0x80, $0x38;
	[tilespmem:$0x1A240] =	vst v63  }
0x1ca: {  	s12 =	rddreg [dreg:$0x12]  }
0x1cb: {  	[tilespmem:s25], [sflag:$0x9] =	stream.linear.gather [hbm4b:s12+s3], $0x80, $0x38;
	[tilespmem:$0x1A240] =	vst v63  }
0x1cc: {  	_ =	swait.ge [sflag:s21], $0x80  }
0x1cd: {  	[sflag:s21] =	ssyncset.done $0x0  }
0x1ce: {  	s13 =	simm.s32 $0x14200;
	[sflag:s21] =	ssyncadd.s32 $0xFFFFFF80  }
0x1cf: {  	[tilespmem:s13], [sflag:$0x5] =	stream.indirect.gather [spmem:s2], $0x80, s25, s22, $0xb8;
	[tilespmem:$0x1A240] =	vst v63  }
0x1d0: {  	s15 =	simm.s32 $0xC200;
	s14 =	rddreg [dreg:$0x13]  }
0x1d1: {  	[tilespmem:s15], [sflag:$0x6] =	stream.linear.gather [hbm4b:s14+s3], $0x4000, $0x38;
	[tilespmem:$0x1A240] =	vst v63  }
0x1d2: {  	_ = 	snop  }
0x1d3: {  	[tilespmem:s29], [sflag:$0x7] =	stream.linear.gather [hbm4b:s17+s3], $0x4000, $0x38;
	[tilespmem:$0x1A240] =	vst v63  }
0x1d4: {  	_ =	swait.ge [sflag:s30], $0x4000  }
0x1d5: {  	[sflag:s30] =	ssyncset.done $0x0  }
0x1d6: {  	[sflag:s30] =	ssyncadd.s32 $0xFFFFC000  }
0x1d7: {  	_ =	swait.ge [sflag:s31], $0x4000  }
0x1d8: {  	[sflag:s31] =	ssyncset.done $0x0  }
0x1d9: {  	[sflag:s31] =	ssyncadd.s32 $0xFFFFC000  }
0x1da: {  	_ =	swait.ge [sflag:s0], $0x4000  }
0x1db: {  	[sflag:s0] =	ssyncset.done $0x0  }
0x1dc: {  	[sflag:s0] =	ssyncadd.s32 $0xFFFFC000  }
0x1dd: {  	_ =	swait.ge [sflag:s8], $0x80  }
0x1de: {  	[sflag:s8] =	ssyncset.done $0x0  }
0x1df: {  	s11 =	simm.s32 $0x4100;
	[sflag:s8] =	ssyncadd.s32 $0xFFFFFF80  }
0x1e0: {  	v5 =	vld [tilespmem:s11+$0xFFFFFFE0]  }
0x1e1: {  	v4 =	vld [tilespmem:s11+$0xFFFFFFD0]  }
0x1e2: {  	v6 =	vld [tilespmem:s11+$0xFFFFFFC0]  }
0x1e3: {  	v7 =	vld [tilespmem:s11+$0xFFFFFFB0]  }
0x1e4: {  	v8 =	vld [tilespmem:s11+$0xFFFFFFA0]  }
0x1e5: {  	s16 =	simm.s32 $0x100;
	v9 =	vld [tilespmem:s11+$0xFFFFFF80]  }
0x1e6: {  	v10 =	vld [tilespmem:s16+$0xFFFFFFA0]  }
0x1e7: {  	s26 =	simm.s32 $0x8100;
	v11 =	vld [tilespmem:s16+$0xFFFFFF80]  }
0x1e8: {  	v12 =	vld [tilespmem:s26+$0xFFFFFF80]  }
0x1e9: {  	v13 =	vld [tilespmem:s16+$0xFFFFFF90]  }
0x1ea: {  	v14 =	vld [tilespmem:s26+$0xFFFFFF90]  }
0x1eb: {  	v15 =	vld [tilespmem:s26+$0xFFFFFFA0]  }
0x1ec: {  	v16 =	vld [tilespmem:s11+$0xFFFFFF90]  }
0x1ed: {  	v17 =	vld [tilespmem:s16+$0xFFFFFFB0]  }
0x1ee: {  	v18 =	vld [tilespmem:s26+$0xFFFFFFB0]  }
0x1ef: {  	v19 =	vld [tilespmem:s16+$0xFFFFFFC0];
	v11 =	vmul.f32 v12, v11;
	v12 =	vmul.f32 v14, v13  }
0x1f0: {  	v13 =	vld [tilespmem:s26+$0xFFFFFFC0];
	v10 =	vmul.f32 v15, v10  }
0x1f1: {  	v14 =	vld [tilespmem:s16+$0xFFFFFFD0];
	v9 =	vmul.f32 v9, v11;
	v11 =	vmul.f32 v16, v12  }
0x1f2: {  	v12 =	vld [tilespmem:s26+$0xFFFFFFD0]  }
0x1f3: {  	v15 =	vld [tilespmem:s16+$0xFFFFFFE0];
	v16 =	vmul.f32 v18, v17;
	v8 =	vmul.f32 v8, v10;
	v9 =	vadd.f32 v11, v9  }
0x1f4: {  	v10 =	vld [tilespmem:s26+$0xFFFFFFE0]  }
0x1f5: {  	v11 =	vld [tilespmem:s16+$0xFFFFFFF0];
	v7 =	vmul.f32 v7, v16;
	v8 =	vadd.f32 v8, v9;
	v9 =	vmul.f32 v13, v19  }
0x1f6: {  	v13 =	vld [tilespmem:s26+$0xFFFFFFF0]  }
0x1f7: {  	v7 =	vadd.f32 v7, v8;
	v6 =	vmul.f32 v6, v9;
	v8 =	vmul.f32 v12, v14  }
0x1f8: {  	v9 =	vld [tilespmem:s11+$0xFFFFFFF0]  }
0x1f9: {  	s13 =	simm.s32 $0x8200;
	v6 =	vadd.f32 v6, v7;
	v7 =	vmul.f32 v4, v8;
	v8 =	vmul.f32 v10, v15  }
0x1fa: {  	s24 =	simm.s32 $0x200;
	v20 =	vld [tilespmem:s13+$0xFFFFFFC0]  }
0x1fb: {  	v21 =	vld [tilespmem:s24+$0xFFFFFFB0];
	v10 =	vmul.f32 v13, v11;
	v7 =	vadd.f32 v7, v6;
	v8 =	vmul.f32 v5, v8  }
0x1fc: {  	s23 =	simm.s32 $0x4200;
	v22 =	vld [tilespmem:s13+$0xFFFFFFB0]  }
0x1fd: {  	v23 =	vld [tilespmem:s23+$0xFFFFFF80];
	v9 =	vmul.f32 v9, v10;
	v8 =	vadd.f32 v8, v7  }
0x1fe: {  	v45 =	vld [tilespmem:s23+$0xFFFFFF90]  }
0x1ff: {  	v46 =	vld [tilespmem:s24+$0xFFFFFFA0];
	v8 =	vadd.f32 v9, v8  }
0x200: {  	v47 =	vld [tilespmem:s13+$0xFFFFFFA0]  }
0x201: {  	v48 =	vld [tilespmem:s24+$0xFFFFFF80];
	v9 =	vperm.xlane v8, v0  }
0x202: {  	v49 =	vld [tilespmem:s13+$0xFFFFFF80]  }
0x203: {  	v50 =	vld [tilespmem:s24+$0xFFFFFF90];
	v8 =	vadd.f32 v8, v9  }
0x204: {  	v51 =	vld [tilespmem:s13+$0xFFFFFF90]  }
0x205: {  	v17 =	vld [tilespmem:s24+$0xFFFFFFD0];
	v9 =	vperm.xlane v8, v1  }
0x206: {  	v18 =	vld [tilespmem:s24+$0xFFFFFFC0]  }
0x207: {  	v16 =	vld [tilespmem:s23+$0xFFFFFFC0];
	v8 =	vadd.f32 v8, v9  }
0x208: {  	v19 =	vld [tilespmem:s13+$0xFFFFFFD0]  }
0x209: {  	v12 =	vld [tilespmem:s24+$0xFFFFFFE0];
	v9 =	vperm.xlane v8, v2  }
0x20a: {  	v14 =	vld [tilespmem:s23+$0xFFFFFFB0]  }
0x20b: {  	v4 =	vld [tilespmem:s23+$0xFFFFFFF0];
	v8 =	vadd.f32 v8, v9  }
0x20c: {  	v15 =	vld [tilespmem:s23+$0xFFFFFFA0]  }
0x20d: {  	v11 =	vld [tilespmem:s23+$0xFFFFFFD0];
	v9 =	vperm.xlane v8, v3  }
0x20e: {  	v13 =	vld [tilespmem:s13+$0xFFFFFFE0]  }
0x20f: {  	v5 =	vld [tilespmem:s23+$0xFFFFFFE0];
	v8 =	vadd.f32 v8, v9  }
0x210: {  	s14 =	simm.s32 $0xC081;
	v6 =	vld [tilespmem:s24+$0xFFFFFFF0]  }
0x211: {  	v7 =	vld [tilespmem:s13+$0xFFFFFFF0];
	[tilespmem:s14+$0xFFFFFFFF] =	vst.msk $0x1, v8  }
0x212: {  	v8 =	vld [tilespmem:s11+$0x60]  }
0x213: {  	v9 =	vld [tilespmem:s11+$0x50]  }
0x214: {  	v10 =	vld [tilespmem:s11+$0x40]  }
0x215: {  	v31 =	vld [tilespmem:s11+$0x30]  }
0x216: {  	v32 =	vld [tilespmem:s11+$0x20]  }
0x217: {  	v33 =	vld [tilespmem:s11+$0x0]  }
0x218: {  	v34 =	vld [tilespmem:s16+$0x20]  }
0x219: {  	v35 =	vld [tilespmem:s16+$0x0]  }
0x21a: {  	v36 =	vld [tilespmem:s26+$0x0]  }
0x21b: {  	v37 =	vld [tilespmem:s16+$0x10]  }
0x21c: {  	v38 =	vld [tilespmem:s26+$0x10]  }
0x21d: {  	v39 =	vld [tilespmem:s26+$0x20]  }
0x21e: {  	v27 =	vmul.f32 v49, v48;
	v52 =	vmul.f32 v51, v50;
	v53 =	vld [tilespmem:s11+$0x10]  }
0x21f: {  	v25 =	vmul.f32 v47, v46;
	v21 =	vmul.f32 v22, v21;
	v22 =	vld [tilespmem:s16+$0x30]  }
0x220: {  	v23 =	vmul.f32 v23, v27;
	v24 =	vmul.f32 v45, v52;
	v54 =	vld [tilespmem:s26+$0x30]  }
0x221: {  	v57 =	vld [tilespmem:s16+$0x40];
	v55 =	vmul.f32 v36, v35;
	v56 =	vmul.f32 v38, v37  }
0x222: {  	v23 =	vadd.f32 v24, v23;
	v58 =	vmul.f32 v15, v25;
	v60 =	vld [tilespmem:s26+$0x40];
	v59 =	vmul.f32 v39, v34  }
0x223: {  	v15 =	vld [tilespmem:s16+$0x50];
	v27 =	vmul.f32 v33, v55;
	v28 =	vmul.f32 v53, v56  }
0x224: {  	v20 =	vmul.f32 v20, v18;
	v21 =	vmul.f32 v14, v21;
	v23 =	vadd.f32 v58, v23;
	v18 =	vld [tilespmem:s26+$0x50]  }
0x225: {  	v14 =	vld [tilespmem:s16+$0x60];
	v22 =	vmul.f32 v54, v22;
	v25 =	vmul.f32 v32, v59;
	v61 =	vadd.f32 v28, v27  }
0x226: {  	v62 =	vmul.f32 v16, v20;
	v63 =	vmul.f32 v19, v17;
	v23 =	vadd.f32 v21, v23;
	v17 =	vld [tilespmem:s26+$0x60]  }
0x227: {  	s28 =	simm.s32 $0x2;
	s12 =	simm.s32 $0xC081;
	v16 =	vld [tilespmem:s16+$0x70];
	v21 =	vmul.f32 v60, v57;
	v20 =	vmul.f32 v31, v22;
	v19 =	vadd.f32 v25, v61  }
0x228: {  	s15 =	simm.s32 $0x200;
	v12 =	vmul.f32 v13, v12;
	s16 =	simm.s32 $0x4300;
	v22 =	vadd.f32 v62, v23;
	v23 =	vmul.f32 v11, v63;
	v11 =	vld [tilespmem:s26+$0x70];
	s26 =	simm.s32 $0x8200  }
.LBB2_6:
0x229: {  	v13 =	vld [tilespmem:s16+$0xFFFFFFF0];
	v19 =	vadd.f32 v20, v19;
	v10 =	vmul.f32 v10, v21;
	v15 =	vmul.f32 v18, v15  }
0x22a: {  	v7 =	vmul.f32 v7, v6;
	v18 =	vadd.f32 v23, v22;
	v12 =	vmul.f32 v5, v12;
	v20 =	vld [tilespmem:s11+$0x70];
	s11 =	smov.u32 s23;
	s23 =	smov.u32 s16  }
0x22b: {  	s24 =	sadd.s32 $0x100, s24;
	v5 =	vld [tilespmem:s16+$0xFFFFFFE0];
	v10 =	vadd.f32 v10, v19;
	v9 =	vmul.f32 v9, v15;
	v14 =	vmul.f32 v17, v14  }
0x22c: {  	s13 =	sadd.s32 $0x100, s13;
	v17 =	vmul.f32 v4, v7;
	v6 =	vld [tilespmem:s24+$0xFFFFFFF0];
	v15 =	vadd.f32 v12, v18  }
0x22d: {  	v7 =	vld [tilespmem:s13+$0xFFFFFFF0];
	v9 =	vadd.f32 v9, v10;
	v8 =	vmul.f32 v8, v14;
	v10 =	vmul.f32 v11, v16  }
0x22e: {  	v11 =	vld [tilespmem:s16+$0xFFFFFFD0];
	v4 =	vmov v13  }
0x22f: {  	v14 =	vadd.f32 v17, v15;
	v12 =	vld [tilespmem:s24+$0xFFFFFFE0];
	v8 =	vadd.f32 v8, v9;
	v9 =	vmul.f32 v20, v10  }
0x230: {  	v13 =	vld [tilespmem:s13+$0xFFFFFFE0]  }
0x231: {  	v10 =	vperm.xlane v14, v0;
	v16 =	vld [tilespmem:s16+$0xFFFFFFC0];
	v8 =	vadd.f32 v9, v8  }
0x232: {  	v17 =	vld [tilespmem:s24+$0xFFFFFFD0]  }
0x233: {  	v9 =	vadd.f32 v14, v10;
	v19 =	vld [tilespmem:s13+$0xFFFFFFD0];
	v10 =	vperm.xlane v8, v0  }
0x234: {  	v14 =	vld [tilespmem:s16+$0xFFFFFFB0]  }
0x235: {  	v15 =	vperm.xlane v9, v1;
	v18 =	vld [tilespmem:s24+$0xFFFFFFC0];
	v8 =	vadd.f32 v8, v10  }
0x236: {  	v20 =	vld [tilespmem:s13+$0xFFFFFFC0]  }
0x237: {  	v9 =	vadd.f32 v9, v15;
	v21 =	vld [tilespmem:s16+$0xFFFFFFA0];
	v10 =	vperm.xlane v8, v1  }
0x238: {  	v15 =	vld [tilespmem:s24+$0xFFFFFFB0]  }
0x239: {  	v23 =	vperm.xlane v9, v2;
	v22 =	vld [tilespmem:s13+$0xFFFFFFB0];
	v8 =	vadd.f32 v8, v10  }
0x23a: {  	v24 =	vld [tilespmem:s16+$0xFFFFFF80]  }
0x23b: {  	v9 =	vadd.f32 v9, v23;
	v25 =	vld [tilespmem:s16+$0xFFFFFF90];
	v10 =	vperm.xlane v8, v2  }
0x23c: {  	v23 =	vld [tilespmem:s24+$0xFFFFFFA0]  }
0x23d: {  	v27 =	vperm.xlane v9, v3;
	v26 =	vld [tilespmem:s13+$0xFFFFFFA0];
	v8 =	vadd.f32 v8, v10  }
0x23e: {  	v28 =	vld [tilespmem:s24+$0xFFFFFF80]  }
0x23f: {  	v9 =	vadd.f32 v9, v27;
	v29 =	vld [tilespmem:s13+$0xFFFFFF80];
	v10 =	vperm.xlane v8, v3  }
0x240: {  	s14 =	sadd.s32 $0x2, s14;
	v27 =	vld [tilespmem:s24+$0xFFFFFF90]  }
0x241: {  	v30 =	vld [tilespmem:s13+$0xFFFFFF90];
	[tilespmem:s14+$0xFFFFFFFF] =	vst.msk $0x1, v9;
	v10 =	vadd.f32 v8, v10  }
0x242: {  	v8 =	vld [tilespmem:s11+$0x60]  }
0x243: {  	v9 =	vld [tilespmem:s11+$0x50];
	[tilespmem:s12+$0x0] =	vst.msk $0x1, v10;
	s12 =	smov.u32 s14  }
0x244: {  	v10 =	vld [tilespmem:s11+$0x40]  }
0x245: {  	v31 =	vld [tilespmem:s11+$0x30]  }
0x246: {  	v32 =	vld [tilespmem:s11+$0x20]  }
0x247: {  	v33 =	vld [tilespmem:s11+$0x0]  }
0x248: {  	v34 =	vld [tilespmem:s15+$0x20]  }
0x249: {  	v35 =	vld [tilespmem:s15+$0x0]  }
0x24a: {  	v36 =	vld [tilespmem:s26+$0x0]  }
0x24b: {  	v37 =	vld [tilespmem:s15+$0x10]  }
0x24c: {  	v38 =	vld [tilespmem:s26+$0x10]  }
0x24d: {  	v39 =	vld [tilespmem:s26+$0x20]  }
0x24e: {  	v28 =	vmul.f32 v29, v28;
	v27 =	vmul.f32 v30, v27;
	v29 =	vld [tilespmem:s11+$0x10]  }
0x24f: {  	v22 =	vmul.f32 v22, v15;
	v23 =	vmul.f32 v26, v23;
	v26 =	vld [tilespmem:s15+$0x30]  }
0x250: {  	v15 =	vmul.f32 v24, v28;
	v24 =	vmul.f32 v25, v27;
	v25 =	vld [tilespmem:s26+$0x30]  }
0x251: {  	v27 =	vmul.f32 v36, v35;
	v28 =	vmul.f32 v38, v37;
	v30 =	vld [tilespmem:s15+$0x40]  }
0x252: {  	s28 =	sadd.s32 $0x2, s28;
	v21 =	vmul.f32 v21, v23;
	v24 =	vadd.f32 v24, v15;
	v23 =	vmul.f32 v39, v34;
	v34 =	vld [tilespmem:s26+$0x40]  }
0x253: {  	p1 =	slt.u32 s28, $0x7E;
	v27 =	vmul.f32 v33, v27;
	v28 =	vmul.f32 v29, v28;
	v15 =	vld [tilespmem:s15+$0x50]  }
.Ltmp2:
0x254: {  	v20 =	vmul.f32 v20, v18;
	v22 =	vmul.f32 v14, v22;
	v21 =	vadd.f32 v21, v24;
	v18 =	vld [tilespmem:s26+$0x50];
	(pc) =	sbr.rel @p1 .LBB2_6-.Ltmp2, $4  }
0x255: {  	v23 =	vmul.f32 v32, v23;
	v24 =	vadd.f32 v28, v27;
	v25 =	vmul.f32 v25, v26;
	v14 =	vld [tilespmem:s15+$0x60]  }
0x256: {  	v22 =	vadd.f32 v22, v21;
	v26 =	vmul.f32 v16, v20;
	v27 =	vmul.f32 v19, v17;
	v17 =	vld [tilespmem:s26+$0x60]  }
0x257: {  	v19 =	vadd.f32 v23, v24;
	v20 =	vmul.f32 v31, v25;
	v21 =	vmul.f32 v34, v30;
	v16 =	vld [tilespmem:s15+$0x70];
	s15 =	smov.u32 s24  }
0x258: {  	v12 =	vmul.f32 v13, v12;
	s16 =	sadd.s32 $0x100, s16;
	v22 =	vadd.f32 v26, v22;
	v23 =	vmul.f32 v11, v27;
	v11 =	vld [tilespmem:s26+$0x70];
	s26 =	smov.u32 s13  }
0x259: {  	_ = 	snop  }
0x25a: {  	v6 =	vmul.f32 v7, v6;
	v13 =	vadd.f32 v23, v22;
	v5 =	vmul.f32 v5, v12;
	_ =	sdelay $0x1  }
0x25b: {  	v4 =	vmul.f32 v4, v6;
	v5 =	vadd.f32 v5, v13;
	_ =	sdelay $0x1  }
0x25c: {  	v4 =	vadd.f32 v4, v5;
	_ =	sdelay $0x1  }
0x25d: {  	v5 =	vperm.xlane v4, v0;
	_ =	sdelay $0x1  }
0x25e: {  	v4 =	vadd.f32 v4, v5;
	_ =	sdelay $0x1  }
0x25f: {  	v5 =	vperm.xlane v4, v1;
	_ =	sdelay $0x1  }
0x260: {  	v4 =	vadd.f32 v4, v5;
	_ =	sdelay $0x1  }
0x261: {  	v5 =	vperm.xlane v4, v2;
	_ =	sdelay $0x1  }
0x262: {  	v4 =	vadd.f32 v4, v5;
	_ =	sdelay $0x1  }
0x263: {  	v5 =	vperm.xlane v4, v3;
	_ =	sdelay $0x1  }
0x264: {  	v4 =	vadd.f32 v4, v5  }
0x265: {  	s13 =	sadd.s32 $0x2, s14  }
0x266: {  	[tilespmem:s13+$0xFFFFFFFF] =	vst.msk $0x1, v4  }
0x267: {  	v4 =	vld [tilespmem:s23+$0x60]  }
0x268: {  	v5 =	vld [tilespmem:s23+$0x50]  }
0x269: {  	v6 =	vld [tilespmem:s23+$0x40]  }
0x26a: {  	v7 =	vld [tilespmem:s23+$0x30]  }
0x26b: {  	v12 =	vld [tilespmem:s23+$0x20]  }
0x26c: {  	v13 =	vld [tilespmem:s23+$0x0]  }
0x26d: {  	v22 =	vld [tilespmem:s15+$0x20]  }
0x26e: {  	v23 =	vld [tilespmem:s15+$0x0]  }
0x26f: {  	v24 =	vld [tilespmem:s26+$0x0]  }
0x270: {  	v25 =	vld [tilespmem:s15+$0x10]  }
0x271: {  	v26 =	vld [tilespmem:s26+$0x10]  }
0x272: {  	v27 =	vld [tilespmem:s26+$0x20]  }
0x273: {  	v28 =	vld [tilespmem:s23+$0x10]  }
0x274: {  	v29 =	vld [tilespmem:s15+$0x30]  }
0x275: {  	v30 =	vld [tilespmem:s26+$0x30]  }
0x276: {  	v40 =	vld [tilespmem:s15+$0x40];
	v23 =	vmul.f32 v24, v23;
	v39 =	vmul.f32 v26, v25  }
0x277: {  	v41 =	vld [tilespmem:s26+$0x40];
	v22 =	vmul.f32 v27, v22  }
0x278: {  	v42 =	vld [tilespmem:s15+$0x50];
	v13 =	vmul.f32 v13, v23;
	v23 =	vmul.f32 v28, v39  }
0x279: {  	v43 =	vld [tilespmem:s26+$0x50]  }
0x27a: {  	v44 =	vld [tilespmem:s26+$0x60];
	v12 =	vmul.f32 v12, v22;
	v22 =	vmul.f32 v30, v29;
	v13 =	vadd.f32 v23, v13  }
0x27b: {  	v15 =	vmul.f32 v18, v15;
	v23 =	vld [tilespmem:s15+$0x60]  }
0x27c: {  	v18 =	vld [tilespmem:s26+$0x70];
	v7 =	vmul.f32 v7, v22;
	v12 =	vadd.f32 v12, v13;
	v13 =	vmul.f32 v41, v40  }
0x27d: {  	v19 =	vadd.f32 v20, v19;
	v10 =	vmul.f32 v10, v21;
	v22 =	vld [tilespmem:s15+$0x70]  }
0x27e: {  	v20 =	vld [tilespmem:s11+$0x70];
	v7 =	vadd.f32 v7, v12;
	v6 =	vmul.f32 v6, v13;
	v12 =	vmul.f32 v43, v42  }
0x27f: {  	v10 =	vadd.f32 v10, v19;
	v9 =	vmul.f32 v9, v15;
	v13 =	vmul.f32 v17, v14;
	v14 =	vld [tilespmem:s23+$0x70]  }
0x280: {  	v6 =	vadd.f32 v6, v7;
	v5 =	vmul.f32 v5, v12;
	v7 =	vmul.f32 v44, v23  }
0x281: {  	v9 =	vadd.f32 v9, v10;
	v10 =	vmul.f32 v11, v16;
	v8 =	vmul.f32 v8, v13  }
0x282: {  	v5 =	vadd.f32 v5, v6;
	v4 =	vmul.f32 v4, v7;
	v6 =	vmul.f32 v18, v22  }
0x283: {  	v7 =	vadd.f32 v8, v9;
	v8 =	vmul.f32 v20, v10  }
0x284: {  	v4 =	vadd.f32 v4, v5;
	v5 =	vmul.f32 v14, v6  }
0x285: {  	v6 =	vadd.f32 v8, v7  }
0x286: {  	v4 =	vadd.f32 v5, v4  }
0x287: {  	v5 =	vperm.xlane v6, v0  }
0x288: {  	v7 =	vperm.xlane v4, v0  }
0x289: {  	v5 =	vadd.f32 v6, v5  }
0x28a: {  	v4 =	vadd.f32 v4, v7  }
0x28b: {  	v6 =	vperm.xlane v5, v1  }
0x28c: {  	v7 =	vperm.xlane v4, v1  }
0x28d: {  	v5 =	vadd.f32 v5, v6  }
0x28e: {  	v4 =	vadd.f32 v4, v7  }
0x28f: {  	v6 =	vperm.xlane v5, v2  }
0x290: {  	v7 =	vperm.xlane v4, v2  }
0x291: {  	v5 =	vadd.f32 v5, v6  }
0x292: {  	v4 =	vadd.f32 v4, v7  }
0x293: {  	v6 =	vperm.xlane v5, v3  }
0x294: {  	v7 =	vperm.xlane v4, v3  }
0x295: {  	v5 =	vadd.f32 v5, v6  }
0x296: {  	v4 =	vadd.f32 v4, v7  }
0x297: {  	[tilespmem:s12+$0x0] =	vst.msk $0x1, v5  }
0x298: {  	[tilespmem:s13+$0x0] =	vst.msk $0x1, v4  }
0x299: {  	[hbm4b:s18+s3] =	stream.linear.scatter [tilespmem:s1], [sflag:$0x4], $0x80, $0x38;
	[tilespmem:$0x1A240] =	vst v63  }
0x29a: {  	_ =	swait.ge [sflag:s4], $0x4000  }
0x29b: {  	[sflag:s4] =	ssyncset.done $0x0  }
0x29c: {  	[sflag:s4] =	ssyncadd.s32 $0xFFFFC000  }
0x29d: {  	_ =	swait.ge [sflag:s5], $0x4000  }
0x29e: {  	[sflag:s5] =	ssyncset.done $0x0  }
0x29f: {  	[sflag:s5] =	ssyncadd.s32 $0xFFFFC000  }
0x2a0: {  	_ =	swait.ge [sflag:s6], $0x4000  }
0x2a1: {  	[sflag:s6] =	ssyncset.done $0x0  }
0x2a2: {  	[sflag:s6] =	ssyncadd.s32 $0xFFFFC000  }
0x2a3: {  	_ =	swait.ge [sflag:s9], $0x80  }
0x2a4: {  	[sflag:s9] =	ssyncset.done $0x0  }
0x2a5: {  	s11 =	simm.s32 $0x10280;
	[sflag:s9] =	ssyncadd.s32 $0xFFFFFF80  }
0x2a6: {  	v5 =	vld [tilespmem:s11+$0xFFFFFFE0]  }
0x2a7: {  	v4 =	vld [tilespmem:s11+$0xFFFFFFD0]  }
0x2a8: {  	v6 =	vld [tilespmem:s11+$0xFFFFFFC0]  }
0x2a9: {  	v7 =	vld [tilespmem:s11+$0xFFFFFFB0]  }
0x2aa: {  	v8 =	vld [tilespmem:s11+$0xFFFFFFA0]  }
0x2ab: {  	s16 =	simm.s32 $0xC280;
	v9 =	vld [tilespmem:s11+$0xFFFFFF80]  }
0x2ac: {  	v10 =	vld [tilespmem:s16+$0xFFFFFFA0]  }
0x2ad: {  	s26 =	simm.s32 $0x14280;
	v11 =	vld [tilespmem:s16+$0xFFFFFF80]  }
0x2ae: {  	v12 =	vld [tilespmem:s26+$0xFFFFFF80]  }
0x2af: {  	v13 =	vld [tilespmem:s16+$0xFFFFFF90]  }
0x2b0: {  	v14 =	vld [tilespmem:s26+$0xFFFFFF90]  }
0x2b1: {  	v15 =	vld [tilespmem:s26+$0xFFFFFFA0]  }
0x2b2: {  	v16 =	vld [tilespmem:s11+$0xFFFFFF90]  }
0x2b3: {  	v17 =	vld [tilespmem:s16+$0xFFFFFFB0]  }
0x2b4: {  	v18 =	vld [tilespmem:s26+$0xFFFFFFB0]  }
0x2b5: {  	v19 =	vld [tilespmem:s16+$0xFFFFFFC0];
	v11 =	vmul.f32 v12, v11;
	v12 =	vmul.f32 v14, v13  }
0x2b6: {  	v13 =	vld [tilespmem:s26+$0xFFFFFFC0];
	v10 =	vmul.f32 v15, v10  }
0x2b7: {  	v14 =	vld [tilespmem:s16+$0xFFFFFFD0];
	v9 =	vmul.f32 v9, v11;
	v11 =	vmul.f32 v16, v12  }
0x2b8: {  	v12 =	vld [tilespmem:s26+$0xFFFFFFD0]  }
0x2b9: {  	v15 =	vld [tilespmem:s16+$0xFFFFFFE0];
	v16 =	vmul.f32 v18, v17;
	v8 =	vmul.f32 v8, v10;
	v9 =	vadd.f32 v11, v9  }
0x2ba: {  	v10 =	vld [tilespmem:s26+$0xFFFFFFE0]  }
0x2bb: {  	v11 =	vld [tilespmem:s16+$0xFFFFFFF0];
	v7 =	vmul.f32 v7, v16;
	v8 =	vadd.f32 v8, v9;
	v9 =	vmul.f32 v13, v19  }
0x2bc: {  	v13 =	vld [tilespmem:s26+$0xFFFFFFF0]  }
0x2bd: {  	v7 =	vadd.f32 v7, v8;
	v6 =	vmul.f32 v6, v9;
	v8 =	vmul.f32 v12, v14  }
0x2be: {  	v9 =	vld [tilespmem:s11+$0xFFFFFFF0]  }
0x2bf: {  	s13 =	simm.s32 $0x14380;
	v6 =	vadd.f32 v6, v7;
	v7 =	vmul.f32 v4, v8;
	v8 =	vmul.f32 v10, v15  }
0x2c0: {  	s24 =	simm.s32 $0xC380;
	v20 =	vld [tilespmem:s13+$0xFFFFFFC0]  }
0x2c1: {  	v21 =	vld [tilespmem:s24+$0xFFFFFFB0];
	v10 =	vmul.f32 v13, v11;
	v7 =	vadd.f32 v7, v6;
	v8 =	vmul.f32 v5, v8  }
0x2c2: {  	s23 =	simm.s32 $0x10380;
	v22 =	vld [tilespmem:s13+$0xFFFFFFB0]  }
0x2c3: {  	v23 =	vld [tilespmem:s23+$0xFFFFFF80];
	v9 =	vmul.f32 v9, v10;
	v8 =	vadd.f32 v8, v7  }
0x2c4: {  	v45 =	vld [tilespmem:s23+$0xFFFFFF90]  }
0x2c5: {  	v46 =	vld [tilespmem:s24+$0xFFFFFFA0];
	v8 =	vadd.f32 v9, v8  }
0x2c6: {  	v47 =	vld [tilespmem:s13+$0xFFFFFFA0]  }
0x2c7: {  	v48 =	vld [tilespmem:s24+$0xFFFFFF80];
	v9 =	vperm.xlane v8, v0  }
0x2c8: {  	v49 =	vld [tilespmem:s13+$0xFFFFFF80]  }
0x2c9: {  	v50 =	vld [tilespmem:s24+$0xFFFFFF90];
	v8 =	vadd.f32 v8, v9  }
0x2ca: {  	v51 =	vld [tilespmem:s13+$0xFFFFFF90]  }
0x2cb: {  	v17 =	vld [tilespmem:s24+$0xFFFFFFD0];
	v9 =	vperm.xlane v8, v1  }
0x2cc: {  	v18 =	vld [tilespmem:s24+$0xFFFFFFC0]  }
0x2cd: {  	v16 =	vld [tilespmem:s23+$0xFFFFFFC0];
	v8 =	vadd.f32 v8, v9  }
0x2ce: {  	v19 =	vld [tilespmem:s13+$0xFFFFFFD0]  }
0x2cf: {  	v12 =	vld [tilespmem:s24+$0xFFFFFFE0];
	v9 =	vperm.xlane v8, v2  }
0x2d0: {  	v14 =	vld [tilespmem:s23+$0xFFFFFFB0]  }
0x2d1: {  	v4 =	vld [tilespmem:s23+$0xFFFFFFF0];
	v8 =	vadd.f32 v8, v9  }
0x2d2: {  	v15 =	vld [tilespmem:s23+$0xFFFFFFA0]  }
0x2d3: {  	v11 =	vld [tilespmem:s23+$0xFFFFFFD0];
	v9 =	vperm.xlane v8, v3  }
0x2d4: {  	v13 =	vld [tilespmem:s13+$0xFFFFFFE0]  }
0x2d5: {  	v5 =	vld [tilespmem:s23+$0xFFFFFFE0];
	v8 =	vadd.f32 v8, v9  }
0x2d6: {  	s14 =	simm.s32 $0x18201;
	v6 =	vld [tilespmem:s24+$0xFFFFFFF0]  }
0x2d7: {  	v7 =	vld [tilespmem:s13+$0xFFFFFFF0];
	[tilespmem:s14+$0xFFFFFFFF] =	vst.msk $0x1, v8  }
0x2d8: {  	v8 =	vld [tilespmem:s11+$0x60]  }
0x2d9: {  	v9 =	vld [tilespmem:s11+$0x50]  }
0x2da: {  	v10 =	vld [tilespmem:s11+$0x40]  }
0x2db: {  	v31 =	vld [tilespmem:s11+$0x30]  }
0x2dc: {  	v32 =	vld [tilespmem:s11+$0x20]  }
0x2dd: {  	v33 =	vld [tilespmem:s11+$0x0]  }
0x2de: {  	v34 =	vld [tilespmem:s16+$0x20]  }
0x2df: {  	v35 =	vld [tilespmem:s16+$0x0]  }
0x2e0: {  	v36 =	vld [tilespmem:s26+$0x0]  }
0x2e1: {  	v37 =	vld [tilespmem:s16+$0x10]  }
0x2e2: {  	v38 =	vld [tilespmem:s26+$0x10]  }
0x2e3: {  	v39 =	vld [tilespmem:s26+$0x20]  }
0x2e4: {  	v27 =	vmul.f32 v49, v48;
	v52 =	vmul.f32 v51, v50;
	v53 =	vld [tilespmem:s11+$0x10]  }
0x2e5: {  	v25 =	vmul.f32 v47, v46;
	v21 =	vmul.f32 v22, v21;
	v22 =	vld [tilespmem:s16+$0x30]  }
0x2e6: {  	v23 =	vmul.f32 v23, v27;
	v24 =	vmul.f32 v45, v52;
	v54 =	vld [tilespmem:s26+$0x30]  }
0x2e7: {  	v57 =	vld [tilespmem:s16+$0x40];
	v55 =	vmul.f32 v36, v35;
	v56 =	vmul.f32 v38, v37  }
0x2e8: {  	v23 =	vadd.f32 v24, v23;
	v58 =	vmul.f32 v15, v25;
	v60 =	vld [tilespmem:s26+$0x40];
	v59 =	vmul.f32 v39, v34  }
0x2e9: {  	v15 =	vld [tilespmem:s16+$0x50];
	v27 =	vmul.f32 v33, v55;
	v28 =	vmul.f32 v53, v56  }
0x2ea: {  	v20 =	vmul.f32 v20, v18;
	v21 =	vmul.f32 v14, v21;
	v23 =	vadd.f32 v58, v23;
	v18 =	vld [tilespmem:s26+$0x50]  }
0x2eb: {  	v14 =	vld [tilespmem:s16+$0x60];
	v22 =	vmul.f32 v54, v22;
	v25 =	vmul.f32 v32, v59;
	v61 =	vadd.f32 v28, v27  }
0x2ec: {  	v62 =	vmul.f32 v16, v20;
	v63 =	vmul.f32 v19, v17;
	v23 =	vadd.f32 v21, v23;
	v17 =	vld [tilespmem:s26+$0x60]  }
0x2ed: {  	s28 =	simm.s32 $0x2;
	s15 =	simm.s32 $0xC380;
	v16 =	vld [tilespmem:s16+$0x70];
	v21 =	vmul.f32 v60, v57;
	v20 =	vmul.f32 v31, v22;
	v19 =	vadd.f32 v25, v61  }
0x2ee: {  	s12 =	simm.s32 $0x18201;
	v12 =	vmul.f32 v13, v12;
	s16 =	simm.s32 $0x10480;
	v22 =	vadd.f32 v62, v23;
	v23 =	vmul.f32 v11, v63;
	v11 =	vld [tilespmem:s26+$0x70];
	s26 =	simm.s32 $0x14380  }
.LBB2_8:
0x2ef: {  	v13 =	vld [tilespmem:s16+$0xFFFFFFF0];
	v19 =	vadd.f32 v20, v19;
	v10 =	vmul.f32 v10, v21;
	v15 =	vmul.f32 v18, v15  }
0x2f0: {  	v7 =	vmul.f32 v7, v6;
	v18 =	vadd.f32 v23, v22;
	v12 =	vmul.f32 v5, v12;
	v20 =	vld [tilespmem:s11+$0x70];
	s11 =	smov.u32 s23;
	s23 =	smov.u32 s16  }
0x2f1: {  	s24 =	sadd.s32 $0x100, s24;
	v5 =	vld [tilespmem:s16+$0xFFFFFFE0];
	v10 =	vadd.f32 v10, v19;
	v9 =	vmul.f32 v9, v15;
	v14 =	vmul.f32 v17, v14  }
0x2f2: {  	s13 =	sadd.s32 $0x100, s13;
	v17 =	vmul.f32 v4, v7;
	v6 =	vld [tilespmem:s24+$0xFFFFFFF0];
	v15 =	vadd.f32 v12, v18  }
0x2f3: {  	v7 =	vld [tilespmem:s13+$0xFFFFFFF0];
	v9 =	vadd.f32 v9, v10;
	v8 =	vmul.f32 v8, v14;
	v10 =	vmul.f32 v11, v16  }
0x2f4: {  	v11 =	vld [tilespmem:s16+$0xFFFFFFD0];
	v4 =	vmov v13  }
0x2f5: {  	v14 =	vadd.f32 v17, v15;
	v12 =	vld [tilespmem:s24+$0xFFFFFFE0];
	v8 =	vadd.f32 v8, v9;
	v9 =	vmul.f32 v20, v10  }
0x2f6: {  	v13 =	vld [tilespmem:s13+$0xFFFFFFE0]  }
0x2f7: {  	v10 =	vperm.xlane v14, v0;
	v16 =	vld [tilespmem:s16+$0xFFFFFFC0];
	v8 =	vadd.f32 v9, v8  }
0x2f8: {  	v17 =	vld [tilespmem:s24+$0xFFFFFFD0]  }
0x2f9: {  	v9 =	vadd.f32 v14, v10;
	v19 =	vld [tilespmem:s13+$0xFFFFFFD0];
	v10 =	vperm.xlane v8, v0  }
0x2fa: {  	v14 =	vld [tilespmem:s16+$0xFFFFFFB0]  }
0x2fb: {  	v15 =	vperm.xlane v9, v1;
	v18 =	vld [tilespmem:s24+$0xFFFFFFC0];
	v8 =	vadd.f32 v8, v10  }
0x2fc: {  	v20 =	vld [tilespmem:s13+$0xFFFFFFC0]  }
0x2fd: {  	v9 =	vadd.f32 v9, v15;
	v21 =	vld [tilespmem:s16+$0xFFFFFFA0];
	v10 =	vperm.xlane v8, v1  }
0x2fe: {  	v15 =	vld [tilespmem:s24+$0xFFFFFFB0]  }
0x2ff: {  	v23 =	vperm.xlane v9, v2;
	v22 =	vld [tilespmem:s13+$0xFFFFFFB0];
	v8 =	vadd.f32 v8, v10  }
0x300: {  	v24 =	vld [tilespmem:s16+$0xFFFFFF80]  }
0x301: {  	v9 =	vadd.f32 v9, v23;
	v25 =	vld [tilespmem:s16+$0xFFFFFF90];
	v10 =	vperm.xlane v8, v2  }
0x302: {  	v23 =	vld [tilespmem:s24+$0xFFFFFFA0]  }
0x303: {  	v27 =	vperm.xlane v9, v3;
	v26 =	vld [tilespmem:s13+$0xFFFFFFA0];
	v8 =	vadd.f32 v8, v10  }
0x304: {  	v28 =	vld [tilespmem:s24+$0xFFFFFF80]  }
0x305: {  	v9 =	vadd.f32 v9, v27;
	v29 =	vld [tilespmem:s13+$0xFFFFFF80];
	v10 =	vperm.xlane v8, v3  }
0x306: {  	s14 =	sadd.s32 $0x2, s14;
	v27 =	vld [tilespmem:s24+$0xFFFFFF90]  }
0x307: {  	v30 =	vld [tilespmem:s13+$0xFFFFFF90];
	[tilespmem:s14+$0xFFFFFFFF] =	vst.msk $0x1, v9;
	v10 =	vadd.f32 v8, v10  }
0x308: {  	v8 =	vld [tilespmem:s11+$0x60]  }
0x309: {  	v9 =	vld [tilespmem:s11+$0x50];
	[tilespmem:s12+$0x0] =	vst.msk $0x1, v10;
	s12 =	smov.u32 s14  }
0x30a: {  	v10 =	vld [tilespmem:s11+$0x40]  }
0x30b: {  	v31 =	vld [tilespmem:s11+$0x30]  }
0x30c: {  	v32 =	vld [tilespmem:s11+$0x20]  }
0x30d: {  	v33 =	vld [tilespmem:s11+$0x0]  }
0x30e: {  	v34 =	vld [tilespmem:s15+$0x20]  }
0x30f: {  	v35 =	vld [tilespmem:s15+$0x0]  }
0x310: {  	v36 =	vld [tilespmem:s26+$0x0]  }
0x311: {  	v37 =	vld [tilespmem:s15+$0x10]  }
0x312: {  	v38 =	vld [tilespmem:s26+$0x10]  }
0x313: {  	v39 =	vld [tilespmem:s26+$0x20]  }
0x314: {  	v28 =	vmul.f32 v29, v28;
	v27 =	vmul.f32 v30, v27;
	v29 =	vld [tilespmem:s11+$0x10]  }
0x315: {  	v22 =	vmul.f32 v22, v15;
	v23 =	vmul.f32 v26, v23;
	v26 =	vld [tilespmem:s15+$0x30]  }
0x316: {  	v15 =	vmul.f32 v24, v28;
	v24 =	vmul.f32 v25, v27;
	v25 =	vld [tilespmem:s26+$0x30]  }
0x317: {  	v27 =	vmul.f32 v36, v35;
	v28 =	vmul.f32 v38, v37;
	v30 =	vld [tilespmem:s15+$0x40]  }
0x318: {  	s28 =	sadd.s32 $0x2, s28;
	v21 =	vmul.f32 v21, v23;
	v24 =	vadd.f32 v24, v15;
	v23 =	vmul.f32 v39, v34;
	v34 =	vld [tilespmem:s26+$0x40]  }
0x319: {  	p1 =	slt.u32 s28, $0x7E;
	v27 =	vmul.f32 v33, v27;
	v28 =	vmul.f32 v29, v28;
	v15 =	vld [tilespmem:s15+$0x50]  }
.Ltmp3:
0x31a: {  	v20 =	vmul.f32 v20, v18;
	v22 =	vmul.f32 v14, v22;
	v21 =	vadd.f32 v21, v24;
	v18 =	vld [tilespmem:s26+$0x50];
	(pc) =	sbr.rel @p1 .LBB2_8-.Ltmp3, $4  }
0x31b: {  	v23 =	vmul.f32 v32, v23;
	v24 =	vadd.f32 v28, v27;
	v25 =	vmul.f32 v25, v26;
	v14 =	vld [tilespmem:s15+$0x60]  }
0x31c: {  	v22 =	vadd.f32 v22, v21;
	v26 =	vmul.f32 v16, v20;
	v27 =	vmul.f32 v19, v17;
	v17 =	vld [tilespmem:s26+$0x60]  }
0x31d: {  	v19 =	vadd.f32 v23, v24;
	v20 =	vmul.f32 v31, v25;
	v21 =	vmul.f32 v34, v30;
	v16 =	vld [tilespmem:s15+$0x70];
	s15 =	smov.u32 s24  }
0x31e: {  	v12 =	vmul.f32 v13, v12;
	s16 =	sadd.s32 $0x100, s16;
	v22 =	vadd.f32 v26, v22;
	v23 =	vmul.f32 v11, v27;
	v11 =	vld [tilespmem:s26+$0x70];
	s26 =	smov.u32 s13  }
0x31f: {  	_ = 	snop  }
0x320: {  	v6 =	vmul.f32 v7, v6;
	v13 =	vadd.f32 v23, v22;
	v5 =	vmul.f32 v5, v12;
	_ =	sdelay $0x1  }
0x321: {  	v4 =	vmul.f32 v4, v6;
	v5 =	vadd.f32 v5, v13;
	_ =	sdelay $0x1  }
0x322: {  	v4 =	vadd.f32 v4, v5;
	_ =	sdelay $0x1  }
0x323: {  	v5 =	vperm.xlane v4, v0;
	_ =	sdelay $0x1  }
0x324: {  	v4 =	vadd.f32 v4, v5;
	_ =	sdelay $0x1  }
0x325: {  	v5 =	vperm.xlane v4, v1;
	_ =	sdelay $0x1  }
0x326: {  	v4 =	vadd.f32 v4, v5;
	_ =	sdelay $0x1  }
0x327: {  	v5 =	vperm.xlane v4, v2;
	_ =	sdelay $0x1  }
0x328: {  	v4 =	vadd.f32 v4, v5;
	_ =	sdelay $0x1  }
0x329: {  	v5 =	vperm.xlane v4, v3;
	_ =	sdelay $0x1  }
0x32a: {  	v4 =	vadd.f32 v4, v5  }
0x32b: {  	s13 =	sadd.s32 $0x2, s14  }
0x32c: {  	[tilespmem:s13+$0xFFFFFFFF] =	vst.msk $0x1, v4  }
0x32d: {  	v4 =	vld [tilespmem:s23+$0x60]  }
0x32e: {  	v5 =	vld [tilespmem:s23+$0x50]  }
0x32f: {  	v36 =	vld [tilespmem:s23+$0x40]  }
0x330: {  	v37 =	vld [tilespmem:s23+$0x30]  }
0x331: {  	v38 =	vld [tilespmem:s23+$0x20]  }
0x332: {  	v39 =	vld [tilespmem:s23+$0x0]  }
0x333: {  	v40 =	vld [tilespmem:s15+$0x20]  }
0x334: {  	v41 =	vld [tilespmem:s15+$0x0]  }
0x335: {  	v24 =	vld [tilespmem:s26+$0x0]  }
0x336: {  	v25 =	vld [tilespmem:s15+$0x10]  }
0x337: {  	v26 =	vld [tilespmem:s26+$0x10]  }
0x338: {  	v27 =	vld [tilespmem:s26+$0x20]  }
0x339: {  	v28 =	vld [tilespmem:s23+$0x10]  }
0x33a: {  	v29 =	vld [tilespmem:s15+$0x30]  }
0x33b: {  	v30 =	vld [tilespmem:s26+$0x30]  }
0x33c: {  	v43 =	vld [tilespmem:s15+$0x40];
	v23 =	vmul.f32 v24, v41;
	v42 =	vmul.f32 v26, v25  }
0x33d: {  	v44 =	vld [tilespmem:s26+$0x40];
	v22 =	vmul.f32 v27, v40  }
0x33e: {  	v46 =	vld [tilespmem:s15+$0x50];
	v13 =	vmul.f32 v39, v23;
	v45 =	vmul.f32 v28, v42  }
0x33f: {  	v47 =	vld [tilespmem:s26+$0x50]  }
0x340: {  	v49 =	vld [tilespmem:s15+$0x60];
	v48 =	vmul.f32 v30, v29;
	v12 =	vmul.f32 v38, v22;
	v13 =	vadd.f32 v45, v13  }
0x341: {  	v50 =	vld [tilespmem:s26+$0x60]  }
0x342: {  	v52 =	vld [tilespmem:s15+$0x70];
	v51 =	vmul.f32 v44, v43;
	v7 =	vmul.f32 v37, v48;
	v12 =	vadd.f32 v12, v13  }
0x343: {  	v19 =	vadd.f32 v20, v19;
	v10 =	vmul.f32 v10, v21;
	v15 =	vmul.f32 v18, v15;
	v53 =	vld [tilespmem:s26+$0x70]  }
0x344: {  	v55 =	vld [tilespmem:s11+$0x70];
	v54 =	vmul.f32 v47, v46;
	v6 =	vmul.f32 v36, v51;
	v7 =	vadd.f32 v7, v12  }
0x345: {  	v10 =	vadd.f32 v10, v19;
	v9 =	vmul.f32 v9, v15;
	v14 =	vmul.f32 v17, v14;
	v56 =	vld [tilespmem:s23+$0x70]  }
0x346: {  	v57 =	vmul.f32 v50, v49;
	v5 =	vmul.f32 v5, v54;
	v6 =	vadd.f32 v6, v7  }
0x347: {  	v9 =	vadd.f32 v9, v10;
	v8 =	vmul.f32 v8, v14;
	v58 =	vmul.f32 v11, v16  }
0x348: {  	v59 =	vmul.f32 v53, v52;
	v4 =	vmul.f32 v4, v57;
	v5 =	vadd.f32 v5, v6  }
0x349: {  	v60 =	vadd.f32 v8, v9;
	v61 =	vmul.f32 v55, v58  }
0x34a: {  	v4 =	vadd.f32 v4, v5;
	v5 =	vmul.f32 v56, v59  }
0x34b: {  	v62 =	vadd.f32 v61, v60  }
0x34c: {  	v4 =	vadd.f32 v5, v4  }
0x34d: {  	v5 =	vperm.xlane v62, v0  }
0x34e: {  	v63 =	vperm.xlane v4, v0  }
0x34f: {  	v5 =	vadd.f32 v62, v5  }
0x350: {  	v4 =	vadd.f32 v4, v63  }
0x351: {  	v6 =	vperm.xlane v5, v1  }
0x352: {  	v7 =	vperm.xlane v4, v1  }
0x353: {  	v5 =	vadd.f32 v5, v6  }
0x354: {  	v4 =	vadd.f32 v4, v7  }
0x355: {  	v6 =	vperm.xlane v5, v2  }
0x356: {  	v7 =	vperm.xlane v4, v2  }
0x357: {  	v5 =	vadd.f32 v5, v6  }
0x358: {  	v4 =	vadd.f32 v4, v7  }
0x359: {  	v6 =	vperm.xlane v5, v3  }
0x35a: {  	v7 =	vperm.xlane v4, v3  }
0x35b: {  	v5 =	vadd.f32 v5, v6  }
0x35c: {  	v4 =	vadd.f32 v4, v7  }
0x35d: {  	[tilespmem:s12+$0x0] =	vst.msk $0x1, v5  }
0x35e: {  	s10 =	sadd.s32 $0x1, s10;
	[tilespmem:s13+$0x0] =	vst.msk $0x1, v4  }
0x35f: {  	[hbm4b:s19+s3] =	stream.linear.scatter [tilespmem:s7], [sflag:$0x8], $0x80, $0x38;
	[tilespmem:$0x1A240] =	vst v63  }
0x360: {  	p1 =	sne.s32 s10, s20;
	_ =	swait.ge [sflag:s8], $0x80  }
.Ltmp4:
0x361: {  	[sflag:s8] =	ssyncset.done $0x0;
	(pc) =	sbr.rel @p1 .LBB2_1-.Ltmp4, $4  }
0x362: {  	[sflag:s8] =	ssyncadd.s32 $0xFFFFFF80  }
0x363: {  	_ =	swait.ge [sflag:s9], $0x80  }
0x364: {  	[sflag:s9] =	ssyncset.done $0x0  }
0x365: {  	[sflag:s9] =	ssyncadd.s32 $0xFFFFFF80  }
0x366: {  	_ =	sfence.sel $0x180000  }
0x367: {  	[bflag:$0x0] =	sbarrier.arrive $0xFFFF  }
0x368: {  	_ =	strace $0x90000047  }
0x369: {  	[bflag:$0x2] =	sbarrier.arrive $0xFFFF  }
0x36a: {  	s0 =	rddreg [dreg:$0x6]  }
0x36b: {  	s0 =	sadd.s32 @!p0 $0x100000, s0  }
0x36c: {  	[sflag:s0] =	ssyncadd.tile.s32 @!p0 $0x1;
	_ =	shalt  }
.Lfunc_end2:
_tile_overlayer_lowered:
.L_overlay_start_2:
0x36d: {  	(tag) =	ssettag $0x2  }
0x36e: {  	s0 =	rddreg [dreg:$0x0];
	s2 =	stileid.u32  }
0x36f: {  	s1 =	rddreg [dreg:$0x1];
	p0 =	sne.s32 s2, $0x0  }
0x370: {  	s3 =	rddreg [dreg:$0x2];
	[bflag:$0x3] =	sbarrier.arrive $0xFFFF;
	s2 =	simm.s32 @!p0 $0x1C09  }
0x371: {  	[timem:s3], [sflag:s2] =	dma.local @!p0 [hbm:s0], s1  }
0x372: {  	s0 =	simm.s32 @!p0 $0x9  }
0x373: {  	_ =	swait.ge @!p0 [sflag:s0], s1  }
0x374: {  	s1 =	ssub.s32 @!p0 $0x0, s1;
	[sflag:s0] =	ssyncset.done @!p0 $0x0  }
0x375: {  	[sflag:s0] =	ssyncadd.s32 @!p0 s1  }
0x376: {  	[bflag:$0x3] =	sbarrier.arrive $0xFFFF  }
0x377: {  	_ =	shalt  }

</sc_bundles>
